<compile_context>
chip_gen: v7x
topology: tpu7x:2x2x1
jax: 0.10.2.dev20260603
libtpu: 0.0.44.dev20260713+nightly
codegen_flags: <defaults>
</compile_context>

<pallas_src>
import functools

import jax
import jax.numpy as jnp
from jax import lax
from jax.experimental import pallas as pl
from jax.experimental.pallas import tpu as pltpu
from jax.experimental.pallas import tpu_sc as plsc

NPTS = 8000
NT = 10000
R = 4096
SAMPLING_LENGTH = 0.05
MAX_SAMPLES = 128
BIG = 1.0e10

RB = 256
TB = 1024
RBS = 512


F_PAD = 40960

_SC_MESH = plsc.VectorSubcoreMesh(core_axis_name="c", subcore_axis_name="s")


def _sc_wid():
    return lax.axis_index("s") * 2 + lax.axis_index("c")


def _tri_gather(cage_flat, fids):
    ch = F_PAD // 32

    @functools.partial(
        pl.kernel,
        mesh=_SC_MESH,
        compiler_params=pltpu.CompilerParams(needs_layout_passes=False),
        out_type=jax.ShapeDtypeStruct((16, F_PAD), jnp.float32),
        scratch_types=[
            pltpu.VMEM((NPTS * 3,), jnp.float32),
            pltpu.VMEM((3, ch), jnp.int32),
            pltpu.VMEM((16, ch), jnp.float32),
        ],
    )
    def k(cage_hbm, fid_hbm, td_hbm, cage_v, fid_v, out_v):
        wid = _sc_wid()
        base = wid * ch
        pltpu.sync_copy(cage_hbm, cage_v)
        pltpu.sync_copy(fid_hbm.at[:, pl.ds(base, ch)], fid_v)

        def body(i, _):
            s = pl.ds(i * 16, 16)
            a0 = fid_v[0, s] * 3
            a1 = fid_v[1, s] * 3
            a2 = fid_v[2, s] * 3
            for c in range(3):
                x0 = plsc.load_gather(cage_v, [a0 + c])
                x1 = plsc.load_gather(cage_v, [a1 + c])
                x2 = plsc.load_gather(cage_v, [a2 + c])
                out_v[0 + c, s] = x0
                out_v[3 + c, s] = x1 - x0
                out_v[6 + c, s] = x2 - x0
            return 0

        lax.fori_loop(0, ch // 16, body, 0)
        pltpu.sync_copy(out_v, td_hbm.at[:, pl.ds(base, ch)])

    return k(cage_flat, fids)


def _tet_gather(fidx, t2t, tvid_flat, cage_flat):
    ch = R // 32
    nt = tvid_flat.shape[0] // 4
    nf = t2t.shape[0]

    @functools.partial(
        pl.kernel,
        mesh=_SC_MESH,
        compiler_params=pltpu.CompilerParams(needs_layout_passes=False),
        out_type=[
            jax.ShapeDtypeStruct((R,), jnp.int32),
            jax.ShapeDtypeStruct((R, 16), jnp.float32),
        ],
        scratch_types=[
            pltpu.VMEM((nf,), jnp.int32),
            pltpu.VMEM((4 * nt,), jnp.int32),
            pltpu.VMEM((NPTS * 3,), jnp.float32),
            pltpu.VMEM((ch,), jnp.int32),
            pltpu.VMEM((ch,), jnp.int32),
            pltpu.VMEM((ch, 16), jnp.float32),
        ],
    )
    def k(fidx_hbm, t2t_hbm, tvid_hbm, cage_hbm, tet_hbm, verts_hbm,
          t2t_v, tvid_v, cage_v, fidx_v, tet_v, verts_v):
        wid = _sc_wid()
        base = wid * ch
        pltpu.sync_copy(t2t_hbm, t2t_v)
        pltpu.sync_copy(tvid_hbm, tvid_v)
        pltpu.sync_copy(cage_hbm, cage_v)
        pltpu.sync_copy(fidx_hbm.at[pl.ds(base, ch)], fidx_v)

        def body(i, _):
            s = pl.ds(i * 16, 16)
            rows = i * 16 + lax.iota(jnp.int32, 16)
            f = fidx_v[s]
            tet = plsc.load_gather(t2t_v, [f])
            tet_v[s] = tet
            for kk in range(4):
                vid = plsc.load_gather(tvid_v, [tet + kk * nt])
                a = vid * 3
                for c in range(3):
                    comp = plsc.load_gather(cage_v, [a + c])
                    col = jnp.full((16,), 3 * kk + c, jnp.int32)
                    plsc.store_scatter(verts_v, [rows, col], comp)
            return 0

        lax.fori_loop(0, ch // 16, body, 0)
        pltpu.sync_copy(tet_v, tet_hbm.at[pl.ds(base, ch)])
        pltpu.sync_copy(verts_v, verts_hbm.at[pl.ds(base, ch), :])

    return k(fidx, t2t, tvid_flat, cage_flat)


def _intersect_kernel(od_ref, td_ref, dist_ref, fidx_ref, cur_ref, idx_ref,
                      *, nf):
    ft = pl.program_id(1)

    @pl.when(ft == 0)
    def _init():
        cur_ref[...] = jnp.full((RB, TB), BIG, jnp.float32)
        idx_ref[...] = jnp.zeros((RB, TB), jnp.int32)

    ox = od_ref[:, 0:1]
    oy = od_ref[:, 1:2]
    oz = od_ref[:, 2:3]
    dx = od_ref[:, 3:4]
    dy = od_ref[:, 4:5]
    dz = od_ref[:, 5:6]

    v0x = td_ref[0:1, :]
    v0y = td_ref[1:2, :]
    v0z = td_ref[2:3, :]
    e1x = td_ref[3:4, :]
    e1y = td_ref[4:5, :]
    e1z = td_ref[5:6, :]
    e2x = td_ref[6:7, :]
    e2y = td_ref[7:8, :]
    e2z = td_ref[8:9, :]

    px = dy * e2z - dz * e2y
    py = dz * e2x - dx * e2z
    pz = dx * e2y - dy * e2x
    det = e1x * px + e1y * py + e1z * pz
    ok = jnp.abs(det) > 1e-9
    inv = jnp.where(ok, 1.0 / det, 0.0)
    tx = ox - v0x
    ty = oy - v0y
    tz = oz - v0z
    uu = (tx * px + ty * py + tz * pz) * inv
    qx = ty * e1z - tz * e1y
    qy = tz * e1x - tx * e1z
    qz = tx * e1y - ty * e1x
    vv = (dx * qx + dy * qy + dz * qz) * inv
    tt = (e2x * qx + e2y * qy + e2z * qz) * inv
    hit = (uu >= 0.0) & (vv >= 0.0) & (uu + vv <= 1.0) & (tt > 1e-6)
    tval = jnp.where(hit, tt, BIG)

    idx_row = ft * TB + jax.lax.broadcasted_iota(jnp.int32, (1, TB), 1)
    better = tval < cur_ref[...]
    cur_ref[...] = jnp.where(better, tval, cur_ref[...])
    idx_ref[...] = jnp.where(better, idx_row, idx_ref[...])

    @pl.when(ft == nf - 1)
    def _done():
        cv = cur_ref[...]
        m = jnp.min(cv, axis=1)
        sel = jnp.where(cv == m[:, None], idx_ref[...], jnp.int32(2**31 - 1))
        dist_ref[...] = m
        fidx_ref[...] = jnp.min(sel, axis=1)


def _intersect(od, td):
    nf = td.shape[1] // TB
    grid = (R // RB, nf)
    return pl.pallas_call(
        functools.partial(_intersect_kernel, nf=nf),
        grid=grid,
        in_specs=[
            pl.BlockSpec((RB, 8), lambda r, f: (r, 0)),
            pl.BlockSpec((16, TB), lambda r, f: (0, f)),
        ],
        out_specs=[
            pl.BlockSpec((RB,), lambda r, f: (r,)),
            pl.BlockSpec((RB,), lambda r, f: (r,)),
        ],
        out_shape=[
            jax.ShapeDtypeStruct((R,), jnp.float32),
            jax.ShapeDtypeStruct((R,), jnp.int32),
        ],
        scratch_shapes=[
            pltpu.VMEM((RB, TB), jnp.float32),
            pltpu.VMEM((RB, TB), jnp.int32),
        ],
    )(od, td)


def _sampler_kernel(od_ref, dist_ref, tet_ref, verts_ref,
                    ray_idx_ref, tet_idx_ref, t0_ref, t1_ref,
                    b0_ref, b1_ref, b2_ref, b3_ref,
                    px_ref, py_ref, pz_ref):
    rb = pl.program_id(0)
    dist = dist_ref[...]
    mask = dist < 5.0
    safe = jnp.where(mask, dist, 0.0)

    base = rb * RBS
    ray_iota = base + jax.lax.broadcasted_iota(jnp.int32, (RBS,), 0)
    ray_idx_ref[...] = jnp.where(mask, ray_iota, -1)
    tet_idx_ref[...] = jnp.where(mask, tet_ref[...], -1)
    t0_ref[...] = safe
    t1_ref[...] = jnp.where(mask, safe + SAMPLING_LENGTH, 0.0)

    ox = od_ref[:, 0:1]
    oy = od_ref[:, 1:2]
    oz = od_ref[:, 2:3]
    dx = od_ref[:, 3:4]
    dy = od_ref[:, 4:5]
    dz = od_ref[:, 5:6]
    sd = safe[:, None]
    hx = ox + sd * dx
    hy = oy + sd * dy
    hz = oz + sd * dz

    step = SAMPLING_LENGTH / MAX_SAMPLES
    offs = step * jax.lax.broadcasted_iota(
        jnp.int32, (1, MAX_SAMPLES), 1).astype(jnp.float32)
    px = hx + offs * dx
    py = hy + offs * dy
    pz = hz + offs * dz

    w0x = verts_ref[:, 0:1]
    w0y = verts_ref[:, 1:2]
    w0z = verts_ref[:, 2:3]
    m00 = verts_ref[:, 3:4] - w0x
    m10 = verts_ref[:, 4:5] - w0y
    m20 = verts_ref[:, 5:6] - w0z
    m01 = verts_ref[:, 6:7] - w0x
    m11 = verts_ref[:, 7:8] - w0y
    m21 = verts_ref[:, 8:9] - w0z
    m02 = verts_ref[:, 9:10] - w0x
    m12 = verts_ref[:, 10:11] - w0y
    m22 = verts_ref[:, 11:12] - w0z
    m00 = m00 + 1e-5
    m11 = m11 + 1e-5
    m22 = m22 + 1e-5

    rx = px - w0x
    ry = py - w0y
    rz = pz - w0z

    a0 = jnp.abs(m00)
    a1 = jnp.abs(m10)
    a2 = jnp.abs(m20)
    s2 = a2 > jnp.maximum(a0, a1)
    t1 = (a1 > a0) & jnp.logical_not(s2)
    n00 = jnp.where(s2, m20, jnp.where(t1, m10, m00))
    n01 = jnp.where(s2, m21, jnp.where(t1, m11, m01))
    n02 = jnp.where(s2, m22, jnp.where(t1, m12, m02))
    n10 = jnp.where(t1, m00, m10)
    n11 = jnp.where(t1, m01, m11)
    n12 = jnp.where(t1, m02, m12)
    n20 = jnp.where(s2, m00, m20)
    n21 = jnp.where(s2, m01, m21)
    n22 = jnp.where(s2, m02, m22)
    q0x = jnp.where(s2, rz, jnp.where(t1, ry, rx))
    q0y = jnp.where(t1, rx, ry)
    q0z = jnp.where(s2, rx, rz)

    l10 = n10 / n00
    l20 = n20 / n00
    n11 = n11 - l10 * n01
    n12 = n12 - l10 * n02
    n21 = n21 - l20 * n01
    n22 = n22 - l20 * n02
    q1y = q0y - l10 * q0x
    q1z = q0z - l20 * q0x

    s3 = jnp.abs(n21) > jnp.abs(n11)
    p11 = jnp.where(s3, n21, n11)
    p12 = jnp.where(s3, n22, n12)
    p21 = jnp.where(s3, n11, n21)
    p22 = jnp.where(s3, n12, n22)
    q2y = jnp.where(s3, q1z, q1y)
    q2z = jnp.where(s3, q1y, q1z)

    l21 = p21 / p11
    p22 = p22 - l21 * p12
    q3z = q2z - l21 * q2y

    b3 = q3z / p22
    b2 = (q2y - p12 * b3) / p11
    b1 = (q0x - n01 * b2 - n02 * b3) / n00
    b0 = 1.0 - (b1 + b2 + b3)

    fm = mask.astype(jnp.float32)[:, None]
    b0_ref[...] = b0 * fm
    b1_ref[...] = b1 * fm
    b2_ref[...] = b2 * fm
    b3_ref[...] = b3 * fm
    px_ref[...] = px * fm
    py_ref[...] = py * fm
    pz_ref[...] = pz * fm


def _sampler(od, dist, tet, verts):
    grid = (R // RBS,)
    return pl.pallas_call(
        _sampler_kernel,
        grid=grid,
        in_specs=[
            pl.BlockSpec((RBS, 8), lambda r: (r, 0)),
            pl.BlockSpec((RBS,), lambda r: (r,)),
            pl.BlockSpec((RBS,), lambda r: (r,)),
            pl.BlockSpec((RBS, 16), lambda r: (r, 0)),
        ],
        out_specs=(
            [pl.BlockSpec((RBS,), lambda r: (r,))] * 4
            + [pl.BlockSpec((RBS, MAX_SAMPLES), lambda r: (r, 0))] * 7
        ),
        out_shape=(
            [jax.ShapeDtypeStruct((R,), jnp.int32)] * 2
            + [jax.ShapeDtypeStruct((R,), jnp.float32)] * 2
            + [jax.ShapeDtypeStruct((R, MAX_SAMPLES), jnp.float32)] * 7
        ),
    )(od, dist, tet, verts)


def kernel(cage_vertices, ro, rd, ABCD, triangle_to_tetra, topology):
    cage_flat = cage_vertices[0].reshape(-1)
    o = ro[0]
    d = rd[0]
    od = jnp.concatenate([o, d, jnp.zeros((R, 2), jnp.float32)], axis=1)

    faces = ABCD.reshape(-1, 3)
    F = faces.shape[0]
    fids = jnp.pad(faces.T, ((0, 0), (0, F_PAD - F)))
    td = _tri_gather(cage_flat, fids)

    dist, fidx = _intersect(od, td)

    tvid_flat = jnp.concatenate(
        [ABCD[:, 0, 0], ABCD[:, 0, 1], ABCD[:, 0, 2], ABCD[:, 1, 2]])
    closest_tetras, verts = _tet_gather(
        fidx, triangle_to_tetra, tvid_flat, cage_flat)

    (ray_idx, tet_idx, t0, t1,
     b0, b1, b2, b3, px, py, pz) = _sampler(od, dist, closest_tetras, verts)
    bary = jnp.stack([b0, b1, b2, b3], axis=-1)
    pos = jnp.stack([px, py, pz], axis=-1)
    return ray_idx, tet_idx, bary, t0, t1, pos

# --- scband reference (transcript-rebuilt; emitter-appended) ---
"""Pipeline reference for scband-tetra-sampler-78881369358966 (READ-ONLY COPY).

The authoritative reference and input builder live on the scoring server;
editing this copy changes nothing except your own understanding.
"""

import jax, jax.numpy as jnp
import numpy as np

NPTS = 8000
NT = 10000
R = 4096
CHUNK = 128
SAMPLING_LENGTH = 0.05
MAX_SAMPLES = 128
BIG = 1.0e10


def setup_inputs(seed: int = 0):
    key = jax.random.key(seed)
    k1, k2, k3, k4 = jax.random.split(key, 4)
    cage_vertices = jax.random.uniform(k1, (1, NPTS, 3), minval=-1.0, maxval=1.0, dtype=jnp.float32)
    u = jax.random.normal(k2, (1, R, 3), dtype=jnp.float32)
    ro = 3.0 * u / (jnp.linalg.norm(u, axis=-1, keepdims=True) + 1e-8)
    tgt = jax.random.uniform(k3, (1, R, 3), minval=-0.5, maxval=0.5, dtype=jnp.float32)
    rd = tgt - ro
    rd = rd / (jnp.linalg.norm(rd, axis=-1, keepdims=True) + 1e-8)
    tetras = jax.random.randint(k4, (NT, 4), 0, NPTS, dtype=jnp.int32)
    A, B, C, D = tetras[:, 0], tetras[:, 1], tetras[:, 2], tetras[:, 3]
    v0 = jnp.stack([A, B, C], axis=1)
    v1 = jnp.stack([A, B, D], axis=1)
    v2 = jnp.stack([A, C, D], axis=1)
    v3 = jnp.stack([B, C, D], axis=1)
    ABCD = jnp.stack([v0, v1, v2, v3], axis=1)
    triangle_to_tetra = jnp.repeat(jnp.arange(NT, dtype=jnp.int32), 4)
    topology = -jnp.ones((NT, 4), dtype=jnp.float32)
    return {"cage_vertices": cage_vertices, "ro": ro, "rd": rd, "ABCD": ABCD, "triangle_to_tetra": triangle_to_tetra, "topology": topology}


def _forward(cage_vertices, ro, rd, ABCD, triangle_to_tetra, topology):
    # triangles = cage_vertices[:, ABCD].view(B, -1, 3, 3)
    faces = ABCD.reshape(-1, 3)
    tri = cage_vertices[0][faces]  # [F,3,3]
    v0 = tri[:, 0]
    e1 = tri[:, 1] - tri[:, 0]
    e2 = tri[:, 2] - tri[:, 0]
    o = ro[0]
    d = rd[0]

    # Moller-Trumbore ray/triangle intersection, chunked over rays (replaces BVHRayIntersection)
    def body(od):
        oc, dc = od
        pvec = jnp.cross(dc[:, None, :], e2[None, :, :])
        det = jnp.sum(e1[None] * pvec, axis=-1)
        ok = jnp.abs(det) > 1e-9
        inv = jnp.where(ok, 1.0 / jnp.where(ok, det, 1.0), 0.0)
        tvec = oc[:, None, :] - v0[None]
        uu = jnp.sum(tvec * pvec, axis=-1) * inv
        qvec = jnp.cross(tvec, e1[None, :, :])
        vv = jnp.sum(dc[:, None, :] * qvec, axis=-1) * inv
        tt = jnp.sum(e2[None] * qvec, axis=-1) * inv
        hit = ok & (uu >= 0.0) & (vv >= 0.0) & (uu + vv <= 1.0) & (tt > 1e-6)
        tval = jnp.where(hit, tt, BIG)
        idx = jnp.argmin(tval, axis=1)
        dist = jnp.take_along_axis(tval, idx[:, None], axis=1)[:, 0]
        return dist, idx.astype(jnp.int32)

    oc = o.reshape(R // CHUNK, CHUNK, 3)
    dc = d.reshape(R // CHUNK, CHUNK, 3)
    dist, fidx = jax.lax.map(jax.checkpoint(body), (oc, dc))
    dist = dist.reshape(R)
    fidx = fidx.reshape(R)

    mask = dist < 5.0
    safe_dist = jnp.where(mask, dist, 0.0)
    hit_pts = o + safe_dist[:, None] * d  # closest_points
    closest_tetras = triangle_to_tetra[fidx]

    # topology boundary check (mirrors the original assert; all faces are boundary here)
    check = jnp.sort(topology[closest_tetras], axis=1)
    _all_negative = jnp.sum(check[:, 0] == -1.0)

    # fixed-step marching inside the hit tetra (replaces bvh_distance_queries.Sampler)
    step = SAMPLING_LENGTH / MAX_SAMPLES
    offs = step * jnp.arange(MAX_SAMPLES, dtype=jnp.float32)
    positions = hit_pts[:, None, :] + offs[None, :, None] * d[:, None, :]  # [R,S,3]

    A = ABCD[:, 0, 0]
    B = ABCD[:, 0, 1]
    C = ABCD[:, 0, 2]
    Dv = ABCD[:, 1, 2]
    tet_vid = jnp.stack([A, B, C, Dv], axis=1)  # [NT,4]
    verts = cage_vertices[0][tet_vid[closest_tetras]]  # [R,4,3]
    M = jnp.stack([verts[:, 1] - verts[:, 0], verts[:, 2] - verts[:, 0], verts[:, 3] - verts[:, 0]], axis=-1)
    M = M + 1e-5 * jnp.eye(3, dtype=M.dtype)[None]
    rel = positions - verts[:, None, 0, :]  # [R,S,3]
    bcd = jnp.linalg.solve(M, rel.swapaxes(1, 2)).swapaxes(1, 2)  # [R,S,3]
    bary = jnp.concatenate([1.0 - jnp.sum(bcd, axis=-1, keepdims=True), bcd], axis=-1)  # [R,S,4]

    m3 = mask[:, None, None].astype(positions.dtype)
    bary = bary * m3
    deformed_positions = positions * m3
    ray_indices = jnp.where(mask, jnp.arange(R, dtype=jnp.int32), -1)
    tetra_indices = jnp.where(mask, closest_tetras, -1)
    t_start = safe_dist
    t_end = jnp.where(mask, safe_dist + SAMPLING_LENGTH, 0.0)
    return ray_indices, tetra_indices, bary, t_start, t_end, deformed_positions


def reference(cage_vertices, ro, rd, ABCD, triangle_to_tetra, topology):
    return _forward(cage_vertices, ro, rd, ABCD, triangle_to_tetra, topology)

if __name__ == "__main__":
    import jax
    _d = setup_inputs()
    print(jax.jit(kernel)(*tuple(_d.values())))

</pallas_src>

<mosaic_0001>
#map = affine_map<(d0, d1) -> (0)>
#map1 = affine_map<(d0, d1) -> (0, 0)>
module attributes {stable_mosaic.version = 14 : i64} {
  func.func @k(%arg0: i32, %arg1: i32, %arg2: memref<4096xi32, #tpu.memory_space<hbm>>, %arg3: memref<40000xi32, #tpu.memory_space<hbm>>, %arg4: memref<40000xi32, #tpu.memory_space<hbm>>, %arg5: memref<24000xf32, #tpu.memory_space<hbm>>, %arg6: memref<4096xi32, #tpu.memory_space<hbm>>, %arg7: memref<4096x16xf32, #tpu.memory_space<hbm>>, %arg8: memref<40000xi32, #tpu.memory_space<vmem>>, %arg9: memref<40000xi32, #tpu.memory_space<vmem>>, %arg10: memref<24000xf32, #tpu.memory_space<vmem>>, %arg11: memref<128xi32, #tpu.memory_space<vmem>>, %arg12: memref<128xi32, #tpu.memory_space<vmem>>, %arg13: memref<128x16xf32, #tpu.memory_space<vmem>>) attributes {dimension_semantics = [#tpu.dimension_semantics<core_parallel>, #tpu.dimension_semantics<subcore_parallel>], iteration_bounds = array<i64: 2, 16>, scalar_prefetch = 0 : i64, scratch_operands = 6 : i64, tpu.core_type = #tpu.core_type<sc_vector_subcore>, window_params = [{transform_indices = #map}, {transform_indices = #map}, {transform_indices = #map}, {transform_indices = #map}, {transform_indices = #map}, {transform_indices = #map1}]} {
    %mul3A = arith.constant 2 : i32
    %mul3A_0 = arith.muli %arg1, %mul3A : i32
    %add3A = arith.addi %mul3A_0, %arg0 : i32
    %mul3A_1 = arith.constant 128 : i32
    %mul3A_2 = arith.muli %add3A, %mul3A_1 : i32
    "tpu.region"() ({
      %run_scoped3A = tpu.sem_alloc : memref<!tpu.dma_semaphore, #tpu.memory_space<semaphore_mem>>
      tpu.enqueue_dma source(%arg3 : memref<40000xi32, #tpu.memory_space<hbm>>) target(%arg8 : memref<40000xi32, #tpu.memory_space<vmem>>) target_semaphore(%run_scoped3A : memref<!tpu.dma_semaphore, #tpu.memory_space<semaphore_mem>>)
      tpu.wait_dma2 semaphore(%run_scoped3A : memref<!tpu.dma_semaphore, #tpu.memory_space<semaphore_mem>>) src(%arg3 : memref<40000xi32, #tpu.memory_space<hbm>>) dst(%arg8 : memref<40000xi32, #tpu.memory_space<vmem>>)
      tpu.yield
    }) : () -> ()
    "tpu.region"() ({
      %run_scoped3A = tpu.sem_alloc : memref<!tpu.dma_semaphore, #tpu.memory_space<semaphore_mem>>
      tpu.enqueue_dma source(%arg4 : memref<40000xi32, #tpu.memory_space<hbm>>) target(%arg9 : memref<40000xi32, #tpu.memory_space<vmem>>) target_semaphore(%run_scoped3A : memref<!tpu.dma_semaphore, #tpu.memory_space<semaphore_mem>>)
      tpu.wait_dma2 semaphore(%run_scoped3A : memref<!tpu.dma_semaphore, #tpu.memory_space<semaphore_mem>>) src(%arg4 : memref<40000xi32, #tpu.memory_space<hbm>>) dst(%arg9 : memref<40000xi32, #tpu.memory_space<vmem>>)
      tpu.yield
    }) : () -> ()
    "tpu.region"() ({
      %run_scoped3A = tpu.sem_alloc : memref<!tpu.dma_semaphore, #tpu.memory_space<semaphore_mem>>
      tpu.enqueue_dma source(%arg5 : memref<24000xf32, #tpu.memory_space<hbm>>) target(%arg10 : memref<24000xf32, #tpu.memory_space<vmem>>) target_semaphore(%run_scoped3A : memref<!tpu.dma_semaphore, #tpu.memory_space<semaphore_mem>>)
      tpu.wait_dma2 semaphore(%run_scoped3A : memref<!tpu.dma_semaphore, #tpu.memory_space<semaphore_mem>>) src(%arg5 : memref<24000xf32, #tpu.memory_space<hbm>>) dst(%arg10 : memref<24000xf32, #tpu.memory_space<vmem>>)
      tpu.yield
    }) : () -> ()
    "tpu.region"() ({
      %run_scoped3A = tpu.sem_alloc : memref<!tpu.dma_semaphore, #tpu.memory_space<semaphore_mem>>
      %dma_start3A = tpu.memref_slice %arg2[%mul3A_2] : memref<4096xi32, #tpu.memory_space<hbm>> -> memref<128xi32, #tpu.memory_space<hbm>>
      %dma_start3A_9 = tpu.memref_slice %arg2[%mul3A_2] : memref<4096xi32, #tpu.memory_space<hbm>> -> memref<128xi32, #tpu.memory_space<hbm>>
      tpu.enqueue_dma source(%dma_start3A_9 : memref<128xi32, #tpu.memory_space<hbm>>) target(%arg11 : memref<128xi32, #tpu.memory_space<vmem>>) target_semaphore(%run_scoped3A : memref<!tpu.dma_semaphore, #tpu.memory_space<semaphore_mem>>)
      %dma_wait3A = tpu.memref_slice %arg2[%mul3A_2] : memref<4096xi32, #tpu.memory_space<hbm>> -> memref<128xi32, #tpu.memory_space<hbm>>
      %dma_wait3A_10 = tpu.memref_slice %arg2[%mul3A_2] : memref<4096xi32, #tpu.memory_space<hbm>> -> memref<128xi32, #tpu.memory_space<hbm>>
      tpu.wait_dma2 semaphore(%run_scoped3A : memref<!tpu.dma_semaphore, #tpu.memory_space<semaphore_mem>>) src(%dma_wait3A_10 : memref<128xi32, #tpu.memory_space<hbm>>) dst(%arg11 : memref<128xi32, #tpu.memory_space<vmem>>)
      tpu.yield
    }) : () -> ()
    %scan3A = arith.constant 0 : i32
    %scan3A_3 = arith.constant 0 : i32
    %scan3A_4 = arith.constant 8 : i32
    %scan3A_5 = arith.addi %scan3A_3, %scan3A_4 : i32
    %scan3A_6 = arith.constant 1 : i32
    %scan3A_7 = scf.for %scan3A_9 = %scan3A_3 to %scan3A_5 step %scan3A_6 iter_args(%scan3A_10 = %scan3A) -> (i32)  : i32 {
      %mul3A_11 = arith.constant 16 : i32
      %mul3A_12 = arith.muli %scan3A_9, %mul3A_11 : i32
      %mul3A_13 = arith.constant 16 : i32
      %mul3A_14 = arith.muli %scan3A_9, %mul3A_13 : i32
      %iota3A = tpu.iota {dimensions = array<i32: 0>} : vector<16xi32>
      %add3A_15 = vector.broadcast %mul3A_14 : i32 to vector<16xi32>
      %add3A_16 = arith.addi %add3A_15, %iota3A : vector<16xi32>
      %get3A = arith.index_cast %mul3A_12 : i32 to index
      %get3A_17 = tpu.vector_load %arg11[%get3A] {strides = array<i32>} : memref<128xi32, #tpu.memory_space<vmem>>, vector<16xi32>,
      %gather3A = tpu.vector_load_idx %arg8[%get3A_17] : memref<40000xi32, #tpu.memory_space<vmem>>[vector<16xi32>], vector<16xi32>,
      %swap3A = arith.index_cast %mul3A_12 : i32 to index
      %swap3A_18 = tpu.vector_load %arg12[%swap3A] {strides = array<i32>} : memref<128xi32, #tpu.memory_space<vmem>>, vector<16xi32>,
      tpu.vector_store %arg12[%swap3A], %gather3A {strides = array<i32>} : memref<128xi32, #tpu.memory_space<vmem>>, vector<16xi32>,
      %add3A_19 = arith.constant 0 : i32
      %add3A_20 = vector.broadcast %add3A_19 : i32 to vector<16xi32>
      %add3A_21 = arith.addi %gather3A, %add3A_20 : vector<16xi32>
      %gather3A_22 = tpu.vector_load_idx %arg9[%add3A_21] : memref<40000xi32, #tpu.memory_space<vmem>>[vector<16xi32>], vector<16xi32>,
      %mul3A_23 = arith.constant 3 : i32
      %mul3A_24 = vector.broadcast %mul3A_23 : i32 to vector<16xi32>
      %mul3A_25 = arith.muli %gather3A_22, %mul3A_24 : vector<16xi32>
      %add3A_26 = arith.constant 0 : i32
      %add3A_27 = vector.broadcast %add3A_26 : i32 to vector<16xi32>
      %add3A_28 = arith.addi %mul3A_25, %add3A_27 : vector<16xi32>
      %gather3A_29 = tpu.vector_load_idx %arg10[%add3A_28] : memref<24000xf32, #tpu.memory_space<vmem>>[vector<16xi32>], vector<16xf32>,
      %broadcast_in_dim3A = arith.constant 0 : i32
      %broadcast_in_dim3A_30 = vector.broadcast %broadcast_in_dim3A : i32 to vector<16xi32>
      tpu.vector_store_idx %arg13[%add3A_16, %broadcast_in_dim3A_30], %gather3A_29 : memref<128x16xf32, #tpu.memory_space<vmem>>[vector<16xi32>, vector<16xi32>], vector<16xf32>,
      %add3A_31 = arith.constant 1 : i32
      %add3A_32 = vector.broadcast %add3A_31 : i32 to vector<16xi32>
      %add3A_33 = arith.addi %mul3A_25, %add3A_32 : vector<16xi32>
      %gather3A_34 = tpu.vector_load_idx %arg10[%add3A_33] : memref<24000xf32, #tpu.memory_space<vmem>>[vector<16xi32>], vector<16xf32>,
      %broadcast_in_dim3A_35 = arith.constant 1 : i32
      %broadcast_in_dim3A_36 = vector.broadcast %broadcast_in_dim3A_35 : i32 to vector<16xi32>
      tpu.vector_store_idx %arg13[%add3A_16, %broadcast_in_dim3A_36], %gather3A_34 : memref<128x16xf32, #tpu.memory_space<vmem>>[vector<16xi32>, vector<16xi32>], vector<16xf32>,
      %add3A_37 = arith.constant 2 : i32
      %add3A_38 = vector.broadcast %add3A_37 : i32 to vector<16xi32>
      %add3A_39 = arith.addi %mul3A_25, %add3A_38 : vector<16xi32>
      %gather3A_40 = tpu.vector_load_idx %arg10[%add3A_39] : memref<24000xf32, #tpu.memory_space<vmem>>[vector<16xi32>], vector<16xf32>,
      %broadcast_in_dim3A_41 = arith.constant 2 : i32
      %broadcast_in_dim3A_42 = vector.broadcast %broadcast_in_dim3A_41 : i32 to vector<16xi32>
      tpu.vector_store_idx %arg13[%add3A_16, %broadcast_in_dim3A_42], %gather3A_40 : memref<128x16xf32, #tpu.memory_space<vmem>>[vector<16xi32>, vector<16xi32>], vector<16xf32>,
      %add3A_43 = arith.constant 10000 : i32
      %add3A_44 = vector.broadcast %add3A_43 : i32 to vector<16xi32>
      %add3A_45 = arith.addi %gather3A, %add3A_44 : vector<16xi32>
      %gather3A_46 = tpu.vector_load_idx %arg9[%add3A_45] : memref<40000xi32, #tpu.memory_space<vmem>>[vector<16xi32>], vector<16xi32>,
      %mul3A_47 = arith.constant 3 : i32
      %mul3A_48 = vector.broadcast %mul3A_47 : i32 to vector<16xi32>
      %mul3A_49 = arith.muli %gather3A_46, %mul3A_48 : vector<16xi32>
      %add3A_50 = arith.constant 0 : i32
      %add3A_51 = vector.broadcast %add3A_50 : i32 to vector<16xi32>
      %add3A_52 = arith.addi %mul3A_49, %add3A_51 : vector<16xi32>
      %gather3A_53 = tpu.vector_load_idx %arg10[%add3A_52] : memref<24000xf32, #tpu.memory_space<vmem>>[vector<16xi32>], vector<16xf32>,
      %broadcast_in_dim3A_54 = arith.constant 3 : i32
      %broadcast_in_dim3A_55 = vector.broadcast %broadcast_in_dim3A_54 : i32 to vector<16xi32>
      tpu.vector_store_idx %arg13[%add3A_16, %broadcast_in_dim3A_55], %gather3A_53 : memref<128x16xf32, #tpu.memory_space<vmem>>[vector<16xi32>, vector<16xi32>], vector<16xf32>,
      %add3A_56 = arith.constant 1 : i32
      %add3A_57 = vector.broadcast %add3A_56 : i32 to vector<16xi32>
      %add3A_58 = arith.addi %mul3A_49, %add3A_57 : vector<16xi32>
      %gather3A_59 = tpu.vector_load_idx %arg10[%add3A_58] : memref<24000xf32, #tpu.memory_space<vmem>>[vector<16xi32>], vector<16xf32>,
      %broadcast_in_dim3A_60 = arith.constant 4 : i32
      %broadcast_in_dim3A_61 = vector.broadcast %broadcast_in_dim3A_60 : i32 to vector<16xi32>
      tpu.vector_store_idx %arg13[%add3A_16, %broadcast_in_dim3A_61], %gather3A_59 : memref<128x16xf32, #tpu.memory_space<vmem>>[vector<16xi32>, vector<16xi32>], vector<16xf32>,
      %add3A_62 = arith.constant 2 : i32
      %add3A_63 = vector.broadcast %add3A_62 : i32 to vector<16xi32>
      %add3A_64 = arith.addi %mul3A_49, %add3A_63 : vector<16xi32>
      %gather3A_65 = tpu.vector_load_idx %arg10[%add3A_64] : memref<24000xf32, #tpu.memory_space<vmem>>[vector<16xi32>], vector<16xf32>,
      %broadcast_in_dim3A_66 = arith.constant 5 : i32
      %broadcast_in_dim3A_67 = vector.broadcast %broadcast_in_dim3A_66 : i32 to vector<16xi32>
      tpu.vector_store_idx %arg13[%add3A_16, %broadcast_in_dim3A_67], %gather3A_65 : memref<128x16xf32, #tpu.memory_space<vmem>>[vector<16xi32>, vector<16xi32>], vector<16xf32>,
      %add3A_68 = arith.constant 20000 : i32
      %add3A_69 = vector.broadcast %add3A_68 : i32 to vector<16xi32>
      %add3A_70 = arith.addi %gather3A, %add3A_69 : vector<16xi32>
      %gather3A_71 = tpu.vector_load_idx %arg9[%add3A_70] : memref<40000xi32, #tpu.memory_space<vmem>>[vector<16xi32>], vector<16xi32>,
      %mul3A_72 = arith.constant 3 : i32
      %mul3A_73 = vector.broadcast %mul3A_72 : i32 to vector<16xi32>
      %mul3A_74 = arith.muli %gather3A_71, %mul3A_73 : vector<16xi32>
      %add3A_75 = arith.constant 0 : i32
      %add3A_76 = vector.broadcast %add3A_75 : i32 to vector<16xi32>
      %add3A_77 = arith.addi %mul3A_74, %add3A_76 : vector<16xi32>
      %gather3A_78 = tpu.vector_load_idx %arg10[%add3A_77] : memref<24000xf32, #tpu.memory_space<vmem>>[vector<16xi32>], vector<16xf32>,
      %broadcast_in_dim3A_79 = arith.constant 6 : i32
      %broadcast_in_dim3A_80 = vector.broadcast %broadcast_in_dim3A_79 : i32 to vector<16xi32>
      tpu.vector_store_idx %arg13[%add3A_16, %broadcast_in_dim3A_80], %gather3A_78 : memref<128x16xf32, #tpu.memory_space<vmem>>[vector<16xi32>, vector<16xi32>], vector<16xf32>,
      %add3A_81 = arith.constant 1 : i32
      %add3A_82 = vector.broadcast %add3A_81 : i32 to vector<16xi32>
      %add3A_83 = arith.addi %mul3A_74, %add3A_82 : vector<16xi32>
      %gather3A_84 = tpu.vector_load_idx %arg10[%add3A_83] : memref<24000xf32, #tpu.memory_space<vmem>>[vector<16xi32>], vector<16xf32>,
      %broadcast_in_dim3A_85 = arith.constant 7 : i32
      %broadcast_in_dim3A_86 = vector.broadcast %broadcast_in_dim3A_85 : i32 to vector<16xi32>
      tpu.vector_store_idx %arg13[%add3A_16, %broadcast_in_dim3A_86], %gather3A_84 : memref<128x16xf32, #tpu.memory_space<vmem>>[vector<16xi32>, vector<16xi32>], vector<16xf32>,
      %add3A_87 = arith.constant 2 : i32
      %add3A_88 = vector.broadcast %add3A_87 : i32 to vector<16xi32>
      %add3A_89 = arith.addi %mul3A_74, %add3A_88 : vector<16xi32>
      %gather3A_90 = tpu.vector_load_idx %arg10[%add3A_89] : memref<24000xf32, #tpu.memory_space<vmem>>[vector<16xi32>], vector<16xf32>,
      %broadcast_in_dim3A_91 = arith.constant 8 : i32
      %broadcast_in_dim3A_92 = vector.broadcast %broadcast_in_dim3A_91 : i32 to vector<16xi32>
      tpu.vector_store_idx %arg13[%add3A_16, %broadcast_in_dim3A_92], %gather3A_90 : memref<128x16xf32, #tpu.memory_space<vmem>>[vector<16xi32>, vector<16xi32>], vector<16xf32>,
      %add3A_93 = arith.constant 30000 : i32
      %add3A_94 = vector.broadcast %add3A_93 : i32 to vector<16xi32>
      %add3A_95 = arith.addi %gather3A, %add3A_94 : vector<16xi32>
      %gather3A_96 = tpu.vector_load_idx %arg9[%add3A_95] : memref<40000xi32, #tpu.memory_space<vmem>>[vector<16xi32>], vector<16xi32>,
      %mul3A_97 = arith.constant 3 : i32
      %mul3A_98 = vector.broadcast %mul3A_97 : i32 to vector<16xi32>
      %mul3A_99 = arith.muli %gather3A_96, %mul3A_98 : vector<16xi32>
      %add3A_100 = arith.constant 0 : i32
      %add3A_101 = vector.broadcast %add3A_100 : i32 to vector<16xi32>
      %add3A_102 = arith.addi %mul3A_99, %add3A_101 : vector<16xi32>
      %gather3A_103 = tpu.vector_load_idx %arg10[%add3A_102] : memref<24000xf32, #tpu.memory_space<vmem>>[vector<16xi32>], vector<16xf32>,
      %broadcast_in_dim3A_104 = arith.constant 9 : i32
      %broadcast_in_dim3A_105 = vector.broadcast %broadcast_in_dim3A_104 : i32 to vector<16xi32>
      tpu.vector_store_idx %arg13[%add3A_16, %broadcast_in_dim3A_105], %gather3A_103 : memref<128x16xf32, #tpu.memory_space<vmem>>[vector<16xi32>, vector<16xi32>], vector<16xf32>,
      %add3A_106 = arith.constant 1 : i32
      %add3A_107 = vector.broadcast %add3A_106 : i32 to vector<16xi32>
      %add3A_108 = arith.addi %mul3A_99, %add3A_107 : vector<16xi32>
      %gather3A_109 = tpu.vector_load_idx %arg10[%add3A_108] : memref<24000xf32, #tpu.memory_space<vmem>>[vector<16xi32>], vector<16xf32>,
      %broadcast_in_dim3A_110 = arith.constant 10 : i32
      %broadcast_in_dim3A_111 = vector.broadcast %broadcast_in_dim3A_110 : i32 to vector<16xi32>
      tpu.vector_store_idx %arg13[%add3A_16, %broadcast_in_dim3A_111], %gather3A_109 : memref<128x16xf32, #tpu.memory_space<vmem>>[vector<16xi32>, vector<16xi32>], vector<16xf32>,
      %add3A_112 = arith.constant 2 : i32
      %add3A_113 = vector.broadcast %add3A_112 : i32 to vector<16xi32>
      %add3A_114 = arith.addi %mul3A_99, %add3A_113 : vector<16xi32>
      %gather3A_115 = tpu.vector_load_idx %arg10[%add3A_114] : memref<24000xf32, #tpu.memory_space<vmem>>[vector<16xi32>], vector<16xf32>,
      %broadcast_in_dim3A_116 = arith.constant 11 : i32
      %broadcast_in_dim3A_117 = vector.broadcast %broadcast_in_dim3A_116 : i32 to vector<16xi32>
      tpu.vector_store_idx %arg13[%add3A_16, %broadcast_in_dim3A_117], %gather3A_115 : memref<128x16xf32, #tpu.memory_space<vmem>>[vector<16xi32>, vector<16xi32>], vector<16xf32>,
      %scan3A_118 = arith.constant 0 : i32
      scf.yield %scan3A_118 : i32
    }
    %scan3A_8 = arith.constant 8 : i32
    "tpu.region"() ({
      %run_scoped3A = tpu.sem_alloc : memref<!tpu.dma_semaphore, #tpu.memory_space<semaphore_mem>>
      %dma_start3A = tpu.memref_slice %arg6[%mul3A_2] : memref<4096xi32, #tpu.memory_space<hbm>> -> memref<128xi32, #tpu.memory_space<hbm>>
      %dma_start3A_9 = tpu.memref_slice %arg6[%mul3A_2] : memref<4096xi32, #tpu.memory_space<hbm>> -> memref<128xi32, #tpu.memory_space<hbm>>
      tpu.enqueue_dma source(%arg12 : memref<128xi32, #tpu.memory_space<vmem>>) target(%dma_start3A_9 : memref<128xi32, #tpu.memory_space<hbm>>) target_semaphore(%run_scoped3A : memref<!tpu.dma_semaphore, #tpu.memory_space<semaphore_mem>>)
      %dma_wait3A = tpu.memref_slice %arg6[%mul3A_2] : memref<4096xi32, #tpu.memory_space<hbm>> -> memref<128xi32, #tpu.memory_space<hbm>>
      %dma_wait3A_10 = tpu.memref_slice %arg6[%mul3A_2] : memref<4096xi32, #tpu.memory_space<hbm>> -> memref<128xi32, #tpu.memory_space<hbm>>
      tpu.wait_dma2 semaphore(%run_scoped3A : memref<!tpu.dma_semaphore, #tpu.memory_space<semaphore_mem>>) src(%arg12 : memref<128xi32, #tpu.memory_space<vmem>>) dst(%dma_wait3A_10 : memref<128xi32, #tpu.memory_space<hbm>>)
      tpu.yield
    }) : () -> ()
    "tpu.region"() ({
      %run_scoped3A = tpu.sem_alloc : memref<!tpu.dma_semaphore, #tpu.memory_space<semaphore_mem>>
      %dma_start3A = arith.constant 0 : i32
      %dma_start3A_9 = tpu.memref_slice %arg7[%mul3A_2, %dma_start3A] : memref<4096x16xf32, #tpu.memory_space<hbm>> -> memref<128x16xf32, #tpu.memory_space<hbm>>
      %dma_start3A_10 = arith.constant 0 : i32
      %dma_start3A_11 = tpu.memref_slice %arg7[%mul3A_2, %dma_start3A_10] : memref<4096x16xf32, #tpu.memory_space<hbm>> -> memref<128x16xf32, #tpu.memory_space<hbm>>
      tpu.enqueue_dma source(%arg13 : memref<128x16xf32, #tpu.memory_space<vmem>>) target(%dma_start3A_11 : memref<128x16xf32, #tpu.memory_space<hbm>>) target_semaphore(%run_scoped3A : memref<!tpu.dma_semaphore, #tpu.memory_space<semaphore_mem>>)
      %dma_wait3A = arith.constant 0 : i32
      %dma_wait3A_12 = tpu.memref_slice %arg7[%mul3A_2, %dma_wait3A] : memref<4096x16xf32, #tpu.memory_space<hbm>> -> memref<128x16xf32, #tpu.memory_space<hbm>>
      %dma_wait3A_13 = arith.constant 0 : i32
      %dma_wait3A_14 = tpu.memref_slice %arg7[%mul3A_2, %dma_wait3A_13] : memref<4096x16xf32, #tpu.memory_space<hbm>> -> memref<128x16xf32, #tpu.memory_space<hbm>>
      tpu.wait_dma2 semaphore(%run_scoped3A : memref<!tpu.dma_semaphore, #tpu.memory_space<semaphore_mem>>) src(%arg13 : memref<128x16xf32, #tpu.memory_space<vmem>>) dst(%dma_wait3A_14 : memref<128x16xf32, #tpu.memory_space<hbm>>)
      tpu.yield
    }) : () -> ()
    return
  }
}

#map = affine_map<(d0, d1) -> (0)>
#map1 = affine_map<(d0, d1) -> (0, 0)>
module attributes {stable_mosaic.version = 14 : i64} {
  func.func @k(%arg0: i32, %arg1: i32, %arg2: memref<24000xf32, #tpu.memory_space<hbm>>, %arg3: memref<3x40960xi32, #tpu.memory_space<hbm>>, %arg4: memref<16x40960xf32, #tpu.memory_space<hbm>>, %arg5: memref<24000xf32, #tpu.memory_space<vmem>>, %arg6: memref<3x1280xi32, #tpu.memory_space<vmem>>, %arg7: memref<16x1280xf32, #tpu.memory_space<vmem>>) attributes {dimension_semantics = [#tpu.dimension_semantics<core_parallel>, #tpu.dimension_semantics<subcore_parallel>], iteration_bounds = array<i64: 2, 16>, scalar_prefetch = 0 : i64, scratch_operands = 3 : i64, tpu.core_type = #tpu.core_type<sc_vector_subcore>, window_params = [{transform_indices = #map}, {transform_indices = #map1}, {transform_indices = #map1}]} {
    %mul3A = arith.constant 2 : i32
    %mul3A_0 = arith.muli %arg1, %mul3A : i32
    %add3A = arith.addi %mul3A_0, %arg0 : i32
    %mul3A_1 = arith.constant 1280 : i32
    %mul3A_2 = arith.muli %add3A, %mul3A_1 : i32
    "tpu.region"() ({
      %run_scoped3A = tpu.sem_alloc : memref<!tpu.dma_semaphore, #tpu.memory_space<semaphore_mem>>
      tpu.enqueue_dma source(%arg2 : memref<24000xf32, #tpu.memory_space<hbm>>) target(%arg5 : memref<24000xf32, #tpu.memory_space<vmem>>) target_semaphore(%run_scoped3A : memref<!tpu.dma_semaphore, #tpu.memory_space<semaphore_mem>>)
      tpu.wait_dma2 semaphore(%run_scoped3A : memref<!tpu.dma_semaphore, #tpu.memory_space<semaphore_mem>>) src(%arg2 : memref<24000xf32, #tpu.memory_space<hbm>>) dst(%arg5 : memref<24000xf32, #tpu.memory_space<vmem>>)
      tpu.yield
    }) : () -> ()
    "tpu.region"() ({
      %run_scoped3A = tpu.sem_alloc : memref<!tpu.dma_semaphore, #tpu.memory_space<semaphore_mem>>
      %dma_start3A = arith.constant 0 : i32
      %dma_start3A_9 = tpu.memref_slice %arg3[%dma_start3A, %mul3A_2] : memref<3x40960xi32, #tpu.memory_space<hbm>> -> memref<3x1280xi32, #tpu.memory_space<hbm>>
      %dma_start3A_10 = arith.constant 0 : i32
      %dma_start3A_11 = tpu.memref_slice %arg3[%dma_start3A_10, %mul3A_2] : memref<3x40960xi32, #tpu.memory_space<hbm>> -> memref<3x1280xi32, #tpu.memory_space<hbm>>
      tpu.enqueue_dma source(%dma_start3A_11 : memref<3x1280xi32, #tpu.memory_space<hbm>>) target(%arg6 : memref<3x1280xi32, #tpu.memory_space<vmem>>) target_semaphore(%run_scoped3A : memref<!tpu.dma_semaphore, #tpu.memory_space<semaphore_mem>>)
      %dma_wait3A = arith.constant 0 : i32
      %dma_wait3A_12 = tpu.memref_slice %arg3[%dma_wait3A, %mul3A_2] : memref<3x40960xi32, #tpu.memory_space<hbm>> -> memref<3x1280xi32, #tpu.memory_space<hbm>>
      %dma_wait3A_13 = arith.constant 0 : i32
      %dma_wait3A_14 = tpu.memref_slice %arg3[%dma_wait3A_13, %mul3A_2] : memref<3x40960xi32, #tpu.memory_space<hbm>> -> memref<3x1280xi32, #tpu.memory_space<hbm>>
      tpu.wait_dma2 semaphore(%run_scoped3A : memref<!tpu.dma_semaphore, #tpu.memory_space<semaphore_mem>>) src(%dma_wait3A_14 : memref<3x1280xi32, #tpu.memory_space<hbm>>) dst(%arg6 : memref<3x1280xi32, #tpu.memory_space<vmem>>)
      tpu.yield
    }) : () -> ()
    %scan3A = arith.constant 0 : i32
    %scan3A_3 = arith.constant 0 : i32
    %scan3A_4 = arith.constant 80 : i32
    %scan3A_5 = arith.addi %scan3A_3, %scan3A_4 : i32
    %scan3A_6 = arith.constant 1 : i32
    %scan3A_7 = scf.for %scan3A_9 = %scan3A_3 to %scan3A_5 step %scan3A_6 iter_args(%scan3A_10 = %scan3A) -> (i32)  : i32 {
      %mul3A_11 = arith.constant 16 : i32
      %mul3A_12 = arith.muli %scan3A_9, %mul3A_11 : i32
      %get3A = arith.constant 0 : i32
      %get3A_13 = arith.index_cast %get3A : i32 to index
      %get3A_14 = arith.index_cast %mul3A_12 : i32 to index
      %get3A_15 = tpu.vector_load %arg6[%get3A_13, %get3A_14] {strides = array<i32>} : memref<3x1280xi32, #tpu.memory_space<vmem>>, vector<16xi32>,
      %mul3A_16 = arith.constant 3 : i32
      %mul3A_17 = vector.broadcast %mul3A_16 : i32 to vector<16xi32>
      %mul3A_18 = arith.muli %get3A_15, %mul3A_17 : vector<16xi32>
      %get3A_19 = arith.constant 1 : i32
      %get3A_20 = arith.index_cast %get3A_19 : i32 to index
      %get3A_21 = arith.index_cast %mul3A_12 : i32 to index
      %get3A_22 = tpu.vector_load %arg6[%get3A_20, %get3A_21] {strides = array<i32>} : memref<3x1280xi32, #tpu.memory_space<vmem>>, vector<16xi32>,
      %mul3A_23 = arith.constant 3 : i32
      %mul3A_24 = vector.broadcast %mul3A_23 : i32 to vector<16xi32>
      %mul3A_25 = arith.muli %get3A_22, %mul3A_24 : vector<16xi32>
      %get3A_26 = arith.constant 2 : i32
      %get3A_27 = arith.index_cast %get3A_26 : i32 to index
      %get3A_28 = arith.index_cast %mul3A_12 : i32 to index
      %get3A_29 = tpu.vector_load %arg6[%get3A_27, %get3A_28] {strides = array<i32>} : memref<3x1280xi32, #tpu.memory_space<vmem>>, vector<16xi32>,
      %mul3A_30 = arith.constant 3 : i32
      %mul3A_31 = vector.broadcast %mul3A_30 : i32 to vector<16xi32>
      %mul3A_32 = arith.muli %get3A_29, %mul3A_31 : vector<16xi32>
      %add3A_33 = arith.constant 0 : i32
      %add3A_34 = vector.broadcast %add3A_33 : i32 to vector<16xi32>
      %add3A_35 = arith.addi %mul3A_18, %add3A_34 : vector<16xi32>
      %gather3A = tpu.vector_load_idx %arg5[%add3A_35] : memref<24000xf32, #tpu.memory_space<vmem>>[vector<16xi32>], vector<16xf32>,
      %add3A_36 = arith.constant 0 : i32
      %add3A_37 = vector.broadcast %add3A_36 : i32 to vector<16xi32>
      %add3A_38 = arith.addi %mul3A_25, %add3A_37 : vector<16xi32>
      %gather3A_39 = tpu.vector_load_idx %arg5[%add3A_38] : memref<24000xf32, #tpu.memory_space<vmem>>[vector<16xi32>], vector<16xf32>,
      %add3A_40 = arith.constant 0 : i32
      %add3A_41 = vector.broadcast %add3A_40 : i32 to vector<16xi32>
      %add3A_42 = arith.addi %mul3A_32, %add3A_41 : vector<16xi32>
      %gather3A_43 = tpu.vector_load_idx %arg5[%add3A_42] : memref<24000xf32, #tpu.memory_space<vmem>>[vector<16xi32>], vector<16xf32>,
      %swap3A = arith.constant 0 : i32
      %swap3A_44 = arith.index_cast %swap3A : i32 to index
      %swap3A_45 = arith.index_cast %mul3A_12 : i32 to index
      %swap3A_46 = tpu.vector_load %arg7[%swap3A_44, %swap3A_45] {strides = array<i32>} : memref<16x1280xf32, #tpu.memory_space<vmem>>, vector<16xf32>,
      tpu.vector_store %arg7[%swap3A_44, %swap3A_45], %gather3A {strides = array<i32>} : memref<16x1280xf32, #tpu.memory_space<vmem>>, vector<16xf32>,
      %sub3A = arith.subf %gather3A_39, %gather3A : vector<16xf32>
      %swap3A_47 = arith.constant 3 : i32
      %swap3A_48 = arith.index_cast %swap3A_47 : i32 to index
      %swap3A_49 = arith.index_cast %mul3A_12 : i32 to index
      %swap3A_50 = tpu.vector_load %arg7[%swap3A_48, %swap3A_49] {strides = array<i32>} : memref<16x1280xf32, #tpu.memory_space<vmem>>, vector<16xf32>,
      tpu.vector_store %arg7[%swap3A_48, %swap3A_49], %sub3A {strides = array<i32>} : memref<16x1280xf32, #tpu.memory_space<vmem>>, vector<16xf32>,
      %sub3A_51 = arith.subf %gather3A_43, %gather3A : vector<16xf32>
      %swap3A_52 = arith.constant 6 : i32
      %swap3A_53 = arith.index_cast %swap3A_52 : i32 to index
      %swap3A_54 = arith.index_cast %mul3A_12 : i32 to index
      %swap3A_55 = tpu.vector_load %arg7[%swap3A_53, %swap3A_54] {strides = array<i32>} : memref<16x1280xf32, #tpu.memory_space<vmem>>, vector<16xf32>,
      tpu.vector_store %arg7[%swap3A_53, %swap3A_54], %sub3A_51 {strides = array<i32>} : memref<16x1280xf32, #tpu.memory_space<vmem>>, vector<16xf32>,
      %add3A_56 = arith.constant 1 : i32
      %add3A_57 = vector.broadcast %add3A_56 : i32 to vector<16xi32>
      %add3A_58 = arith.addi %mul3A_18, %add3A_57 : vector<16xi32>
      %gather3A_59 = tpu.vector_load_idx %arg5[%add3A_58] : memref<24000xf32, #tpu.memory_space<vmem>>[vector<16xi32>], vector<16xf32>,
      %add3A_60 = arith.constant 1 : i32
      %add3A_61 = vector.broadcast %add3A_60 : i32 to vector<16xi32>
      %add3A_62 = arith.addi %mul3A_25, %add3A_61 : vector<16xi32>
      %gather3A_63 = tpu.vector_load_idx %arg5[%add3A_62] : memref<24000xf32, #tpu.memory_space<vmem>>[vector<16xi32>], vector<16xf32>,
      %add3A_64 = arith.constant 1 : i32
      %add3A_65 = vector.broadcast %add3A_64 : i32 to vector<16xi32>
      %add3A_66 = arith.addi %mul3A_32, %add3A_65 : vector<16xi32>
      %gather3A_67 = tpu.vector_load_idx %arg5[%add3A_66] : memref<24000xf32, #tpu.memory_space<vmem>>[vector<16xi32>], vector<16xf32>,
      %swap3A_68 = arith.constant 1 : i32
      %swap3A_69 = arith.index_cast %swap3A_68 : i32 to index
      %swap3A_70 = arith.index_cast %mul3A_12 : i32 to index
      %swap3A_71 = tpu.vector_load %arg7[%swap3A_69, %swap3A_70] {strides = array<i32>} : memref<16x1280xf32, #tpu.memory_space<vmem>>, vector<16xf32>,
      tpu.vector_store %arg7[%swap3A_69, %swap3A_70], %gather3A_59 {strides = array<i32>} : memref<16x1280xf32, #tpu.memory_space<vmem>>, vector<16xf32>,
      %sub3A_72 = arith.subf %gather3A_63, %gather3A_59 : vector<16xf32>
      %swap3A_73 = arith.constant 4 : i32
      %swap3A_74 = arith.index_cast %swap3A_73 : i32 to index
      %swap3A_75 = arith.index_cast %mul3A_12 : i32 to index
      %swap3A_76 = tpu.vector_load %arg7[%swap3A_74, %swap3A_75] {strides = array<i32>} : memref<16x1280xf32, #tpu.memory_space<vmem>>, vector<16xf32>,
      tpu.vector_store %arg7[%swap3A_74, %swap3A_75], %sub3A_72 {strides = array<i32>} : memref<16x1280xf32, #tpu.memory_space<vmem>>, vector<16xf32>,
      %sub3A_77 = arith.subf %gather3A_67, %gather3A_59 : vector<16xf32>
      %swap3A_78 = arith.constant 7 : i32
      %swap3A_79 = arith.index_cast %swap3A_78 : i32 to index
      %swap3A_80 = arith.index_cast %mul3A_12 : i32 to index
      %swap3A_81 = tpu.vector_load %arg7[%swap3A_79, %swap3A_80] {strides = array<i32>} : memref<16x1280xf32, #tpu.memory_space<vmem>>, vector<16xf32>,
      tpu.vector_store %arg7[%swap3A_79, %swap3A_80], %sub3A_77 {strides = array<i32>} : memref<16x1280xf32, #tpu.memory_space<vmem>>, vector<16xf32>,
      %add3A_82 = arith.constant 2 : i32
      %add3A_83 = vector.broadcast %add3A_82 : i32 to vector<16xi32>
      %add3A_84 = arith.addi %mul3A_18, %add3A_83 : vector<16xi32>
      %gather3A_85 = tpu.vector_load_idx %arg5[%add3A_84] : memref<24000xf32, #tpu.memory_space<vmem>>[vector<16xi32>], vector<16xf32>,
      %add3A_86 = arith.constant 2 : i32
      %add3A_87 = vector.broadcast %add3A_86 : i32 to vector<16xi32>
      %add3A_88 = arith.addi %mul3A_25, %add3A_87 : vector<16xi32>
      %gather3A_89 = tpu.vector_load_idx %arg5[%add3A_88] : memref<24000xf32, #tpu.memory_space<vmem>>[vector<16xi32>], vector<16xf32>,
      %add3A_90 = arith.constant 2 : i32
      %add3A_91 = vector.broadcast %add3A_90 : i32 to vector<16xi32>
      %add3A_92 = arith.addi %mul3A_32, %add3A_91 : vector<16xi32>
      %gather3A_93 = tpu.vector_load_idx %arg5[%add3A_92] : memref<24000xf32, #tpu.memory_space<vmem>>[vector<16xi32>], vector<16xf32>,
      %swap3A_94 = arith.constant 2 : i32
      %swap3A_95 = arith.index_cast %swap3A_94 : i32 to index
      %swap3A_96 = arith.index_cast %mul3A_12 : i32 to index
      %swap3A_97 = tpu.vector_load %arg7[%swap3A_95, %swap3A_96] {strides = array<i32>} : memref<16x1280xf32, #tpu.memory_space<vmem>>, vector<16xf32>,
      tpu.vector_store %arg7[%swap3A_95, %swap3A_96], %gather3A_85 {strides = array<i32>} : memref<16x1280xf32, #tpu.memory_space<vmem>>, vector<16xf32>,
      %sub3A_98 = arith.subf %gather3A_89, %gather3A_85 : vector<16xf32>
      %swap3A_99 = arith.constant 5 : i32
      %swap3A_100 = arith.index_cast %swap3A_99 : i32 to index
      %swap3A_101 = arith.index_cast %mul3A_12 : i32 to index
      %swap3A_102 = tpu.vector_load %arg7[%swap3A_100, %swap3A_101] {strides = array<i32>} : memref<16x1280xf32, #tpu.memory_space<vmem>>, vector<16xf32>,
      tpu.vector_store %arg7[%swap3A_100, %swap3A_101], %sub3A_98 {strides = array<i32>} : memref<16x1280xf32, #tpu.memory_space<vmem>>, vector<16xf32>,
      %sub3A_103 = arith.subf %gather3A_93, %gather3A_85 : vector<16xf32>
      %swap3A_104 = arith.constant 8 : i32
      %swap3A_105 = arith.index_cast %swap3A_104 : i32 to index
      %swap3A_106 = arith.index_cast %mul3A_12 : i32 to index
      %swap3A_107 = tpu.vector_load %arg7[%swap3A_105, %swap3A_106] {strides = array<i32>} : memref<16x1280xf32, #tpu.memory_space<vmem>>, vector<16xf32>,
      tpu.vector_store %arg7[%swap3A_105, %swap3A_106], %sub3A_103 {strides = array<i32>} : memref<16x1280xf32, #tpu.memory_space<vmem>>, vector<16xf32>,
      %scan3A_108 = arith.constant 0 : i32
      scf.yield %scan3A_108 : i32
    }
    %scan3A_8 = arith.constant 80 : i32
    "tpu.region"() ({
      %run_scoped3A = tpu.sem_alloc : memref<!tpu.dma_semaphore, #tpu.memory_space<semaphore_mem>>
      %dma_start3A = arith.constant 0 : i32
      %dma_start3A_9 = tpu.memref_slice %arg4[%dma_start3A, %mul3A_2] : memref<16x40960xf32, #tpu.memory_space<hbm>> -> memref<16x1280xf32, #tpu.memory_space<hbm>>
      %dma_start3A_10 = arith.constant 0 : i32
      %dma_start3A_11 = tpu.memref_slice %arg4[%dma_start3A_10, %mul3A_2] : memref<16x40960xf32, #tpu.memory_space<hbm>> -> memref<16x1280xf32, #tpu.memory_space<hbm>>
      tpu.enqueue_dma source(%arg7 : memref<16x1280xf32, #tpu.memory_space<vmem>>) target(%dma_start3A_11 : memref<16x1280xf32, #tpu.memory_space<hbm>>) target_semaphore(%run_scoped3A : memref<!tpu.dma_semaphore, #tpu.memory_space<semaphore_mem>>)
      %dma_wait3A = arith.constant 0 : i32
      %dma_wait3A_12 = tpu.memref_slice %arg4[%dma_wait3A, %mul3A_2] : memref<16x40960xf32, #tpu.memory_space<hbm>> -> memref<16x1280xf32, #tpu.memory_space<hbm>>
      %dma_wait3A_13 = arith.constant 0 : i32
      %dma_wait3A_14 = tpu.memref_slice %arg4[%dma_wait3A_13, %mul3A_2] : memref<16x40960xf32, #tpu.memory_space<hbm>> -> memref<16x1280xf32, #tpu.memory_space<hbm>>
      tpu.wait_dma2 semaphore(%run_scoped3A : memref<!tpu.dma_semaphore, #tpu.memory_space<semaphore_mem>>) src(%arg7 : memref<16x1280xf32, #tpu.memory_space<vmem>>) dst(%dma_wait3A_14 : memref<16x1280xf32, #tpu.memory_space<hbm>>)
      tpu.yield
    }) : () -> ()
    return
  }
}

module attributes {stable_mosaic.version = 14 : i64} {
  func.func @_intersect_kernel(%arg0: i32, %arg1: i32, %arg2: memref<256x8xf32, #tpu.memory_space<vmem>>, %arg3: memref<16x1024xf32, #tpu.memory_space<vmem>>, %arg4: memref<256xf32, #tpu.memory_space<vmem>>, %arg5: memref<256xi32, #tpu.memory_space<vmem>>, %arg6: memref<256x1024xf32, #tpu.memory_space<vmem>>, %arg7: memref<256x1024xi32, #tpu.memory_space<vmem>>) attributes {dimension_semantics = [#tpu.dimension_semantics<arbitrary>, #tpu.dimension_semantics<arbitrary>], iteration_bounds = array<i64: 16, 40>, scalar_prefetch = 0 : i64, scratch_operands = 2 : i64, tpu.core_type = #tpu.core_type<tc>, window_params = [{transform_indices = @transform_0, window_bounds = array<i64: 256, 8>}, {transform_indices = @transform_1, window_bounds = array<i64: 16, 1024>}, {transform_indices = @transform_2, window_bounds = array<i64: 256>}, {transform_indices = @transform_3, window_bounds = array<i64: 256>}]} {
    %eq3A = arith.constant 0 : i32
    %eq3A_0 = arith.cmpi eq, %arg1, %eq3A : i32
    %convert_element_type3A = arith.extui %eq3A_0 : i1 to i32
    %cond3A = arith.constant 0 : i32
    %cond3A_1 = arith.cmpi ne, %convert_element_type3A, %cond3A : i32
    scf.if %cond3A_1 {
      %broadcast_in_dim3A_167 = arith.constant 1.000000e+10 : f32
      %broadcast_in_dim3A_168 = vector.broadcast %broadcast_in_dim3A_167 : f32 to vector<256x1024xf32>
      %swap3A_169 = arith.constant 0 : index
      %swap3A_170 = arith.constant 0 : index
      %swap3A_171 = vector.load %arg6[%swap3A_169, %swap3A_170] : memref<256x1024xf32, #tpu.memory_space<vmem>>, vector<256x1024xf32>
      tpu.vector_store %arg6[%swap3A_169, %swap3A_170], %broadcast_in_dim3A_168 {strides = array<i32>} : memref<256x1024xf32, #tpu.memory_space<vmem>>, vector<256x1024xf32>,
      %broadcast_in_dim3A_172 = arith.constant 0 : i32
      %broadcast_in_dim3A_173 = vector.broadcast %broadcast_in_dim3A_172 : i32 to vector<256x1024xi32>
      %swap3A_174 = arith.constant 0 : index
      %swap3A_175 = arith.constant 0 : index
      %swap3A_176 = vector.load %arg7[%swap3A_174, %swap3A_175] : memref<256x1024xi32, #tpu.memory_space<vmem>>, vector<256x1024xi32>
      tpu.vector_store %arg7[%swap3A_174, %swap3A_175], %broadcast_in_dim3A_173 {strides = array<i32>} : memref<256x1024xi32, #tpu.memory_space<vmem>>, vector<256x1024xi32>,
    } else {
    }
    %get3A = arith.constant 0 : index
    %get3A_2 = arith.constant 0 : index
    %get3A_3 = vector.load %arg2[%get3A, %get3A_2] : memref<256x8xf32, #tpu.memory_space<vmem>>, vector<256x1xf32>
    %get3A_4 = arith.constant 0 : index
    %get3A_5 = arith.constant 1 : index
    %get3A_6 = vector.load %arg2[%get3A_4, %get3A_5] : memref<256x8xf32, #tpu.memory_space<vmem>>, vector<256x1xf32>
    %get3A_7 = arith.constant 0 : index
    %get3A_8 = arith.constant 2 : index
    %get3A_9 = vector.load %arg2[%get3A_7, %get3A_8] : memref<256x8xf32, #tpu.memory_space<vmem>>, vector<256x1xf32>
    %get3A_10 = arith.constant 0 : index
    %get3A_11 = arith.constant 3 : index
    %get3A_12 = vector.load %arg2[%get3A_10, %get3A_11] : memref<256x8xf32, #tpu.memory_space<vmem>>, vector<256x1xf32>
    %get3A_13 = arith.constant 0 : index
    %get3A_14 = arith.constant 4 : index
    %get3A_15 = vector.load %arg2[%get3A_13, %get3A_14] : memref<256x8xf32, #tpu.memory_space<vmem>>, vector<256x1xf32>
    %get3A_16 = arith.constant 0 : index
    %get3A_17 = arith.constant 5 : index
    %get3A_18 = vector.load %arg2[%get3A_16, %get3A_17] : memref<256x8xf32, #tpu.memory_space<vmem>>, vector<256x1xf32>
    %get3A_19 = arith.constant 0 : index
    %get3A_20 = arith.constant 0 : index
    %get3A_21 = vector.load %arg3[%get3A_19, %get3A_20] : memref<16x1024xf32, #tpu.memory_space<vmem>>, vector<1x1024xf32>
    %get3A_22 = arith.constant 1 : index
    %get3A_23 = arith.constant 0 : index
    %get3A_24 = vector.load %arg3[%get3A_22, %get3A_23] : memref<16x1024xf32, #tpu.memory_space<vmem>>, vector<1x1024xf32>
    %get3A_25 = arith.constant 2 : index
    %get3A_26 = arith.constant 0 : index
    %get3A_27 = vector.load %arg3[%get3A_25, %get3A_26] : memref<16x1024xf32, #tpu.memory_space<vmem>>, vector<1x1024xf32>
    %get3A_28 = arith.constant 3 : index
    %get3A_29 = arith.constant 0 : index
    %get3A_30 = vector.load %arg3[%get3A_28, %get3A_29] : memref<16x1024xf32, #tpu.memory_space<vmem>>, vector<1x1024xf32>
    %get3A_31 = arith.constant 4 : index
    %get3A_32 = arith.constant 0 : index
    %get3A_33 = vector.load %arg3[%get3A_31, %get3A_32] : memref<16x1024xf32, #tpu.memory_space<vmem>>, vector<1x1024xf32>
    %get3A_34 = arith.constant 5 : index
    %get3A_35 = arith.constant 0 : index
    %get3A_36 = vector.load %arg3[%get3A_34, %get3A_35] : memref<16x1024xf32, #tpu.memory_space<vmem>>, vector<1x1024xf32>
    %get3A_37 = arith.constant 6 : index
    %get3A_38 = arith.constant 0 : index
    %get3A_39 = vector.load %arg3[%get3A_37, %get3A_38] : memref<16x1024xf32, #tpu.memory_space<vmem>>, vector<1x1024xf32>
    %get3A_40 = arith.constant 7 : index
    %get3A_41 = arith.constant 0 : index
    %get3A_42 = vector.load %arg3[%get3A_40, %get3A_41] : memref<16x1024xf32, #tpu.memory_space<vmem>>, vector<1x1024xf32>
    %get3A_43 = arith.constant 8 : index
    %get3A_44 = arith.constant 0 : index
    %get3A_45 = vector.load %arg3[%get3A_43, %get3A_44] : memref<16x1024xf32, #tpu.memory_space<vmem>>, vector<1x1024xf32>
    %mul3A = vector.broadcast %get3A_15 : vector<256x1xf32> to vector<256x1024xf32>
    %mul3A_46 = vector.broadcast %get3A_45 : vector<1x1024xf32> to vector<256x1024xf32>
    %mul3A_47 = arith.mulf %mul3A, %mul3A_46 : vector<256x1024xf32>
    %mul3A_48 = vector.broadcast %get3A_18 : vector<256x1xf32> to vector<256x1024xf32>
    %mul3A_49 = vector.broadcast %get3A_42 : vector<1x1024xf32> to vector<256x1024xf32>
    %mul3A_50 = arith.mulf %mul3A_48, %mul3A_49 : vector<256x1024xf32>
    %sub3A = arith.subf %mul3A_47, %mul3A_50 : vector<256x1024xf32>
    %mul3A_51 = vector.broadcast %get3A_18 : vector<256x1xf32> to vector<256x1024xf32>
    %mul3A_52 = vector.broadcast %get3A_39 : vector<1x1024xf32> to vector<256x1024xf32>
    %mul3A_53 = arith.mulf %mul3A_51, %mul3A_52 : vector<256x1024xf32>
    %mul3A_54 = vector.broadcast %get3A_12 : vector<256x1xf32> to vector<256x1024xf32>
    %mul3A_55 = vector.broadcast %get3A_45 : vector<1x1024xf32> to vector<256x1024xf32>
    %mul3A_56 = arith.mulf %mul3A_54, %mul3A_55 : vector<256x1024xf32>
    %sub3A_57 = arith.subf %mul3A_53, %mul3A_56 : vector<256x1024xf32>
    %mul3A_58 = vector.broadcast %get3A_12 : vector<256x1xf32> to vector<256x1024xf32>
    %mul3A_59 = vector.broadcast %get3A_42 : vector<1x1024xf32> to vector<256x1024xf32>
    %mul3A_60 = arith.mulf %mul3A_58, %mul3A_59 : vector<256x1024xf32>
    %mul3A_61 = vector.broadcast %get3A_15 : vector<256x1xf32> to vector<256x1024xf32>
    %mul3A_62 = vector.broadcast %get3A_39 : vector<1x1024xf32> to vector<256x1024xf32>
    %mul3A_63 = arith.mulf %mul3A_61, %mul3A_62 : vector<256x1024xf32>
    %sub3A_64 = arith.subf %mul3A_60, %mul3A_63 : vector<256x1024xf32>
    %mul3A_65 = vector.broadcast %get3A_30 : vector<1x1024xf32> to vector<256x1024xf32>
    %mul3A_66 = arith.mulf %mul3A_65, %sub3A : vector<256x1024xf32>
    %mul3A_67 = vector.broadcast %get3A_33 : vector<1x1024xf32> to vector<256x1024xf32>
    %mul3A_68 = arith.mulf %mul3A_67, %sub3A_57 : vector<256x1024xf32>
    %add3A = arith.addf %mul3A_66, %mul3A_68 : vector<256x1024xf32>
    %mul3A_69 = vector.broadcast %get3A_36 : vector<1x1024xf32> to vector<256x1024xf32>
    %mul3A_70 = arith.mulf %mul3A_69, %sub3A_64 : vector<256x1024xf32>
    %add3A_71 = arith.addf %add3A, %mul3A_70 : vector<256x1024xf32>
    %abs3A = math.absf %add3A_71 : vector<256x1024xf32>
    %gt3A = arith.constant 9.99999971E-10 : f32
    %gt3A_72 = vector.broadcast %gt3A : f32 to vector<256x1024xf32>
    %gt3A_73 = arith.cmpf ogt, %abs3A, %gt3A_72 : vector<256x1024xf32>
    %div3A = arith.constant 1.000000e+00 : f32
    %div3A_74 = vector.broadcast %div3A : f32 to vector<256x1024xf32>
    %div3A_75 = arith.divf %div3A_74, %add3A_71 : vector<256x1024xf32>
    %jit3A = arith.constant 0.000000e+00 : f32
    %broadcast_in_dim3A = vector.broadcast %jit3A : f32 to vector<256x1024xf32>
    %select_n3A = arith.select %gt3A_73, %div3A_75, %broadcast_in_dim3A : vector<256x1024xi1>, vector<256x1024xf32>
    %sub3A_76 = vector.broadcast %get3A_3 : vector<256x1xf32> to vector<256x1024xf32>
    %sub3A_77 = vector.broadcast %get3A_21 : vector<1x1024xf32> to vector<256x1024xf32>
    %sub3A_78 = arith.subf %sub3A_76, %sub3A_77 : vector<256x1024xf32>
    %sub3A_79 = vector.broadcast %get3A_6 : vector<256x1xf32> to vector<256x1024xf32>
    %sub3A_80 = vector.broadcast %get3A_24 : vector<1x1024xf32> to vector<256x1024xf32>
    %sub3A_81 = arith.subf %sub3A_79, %sub3A_80 : vector<256x1024xf32>
    %sub3A_82 = vector.broadcast %get3A_9 : vector<256x1xf32> to vector<256x1024xf32>
    %sub3A_83 = vector.broadcast %get3A_27 : vector<1x1024xf32> to vector<256x1024xf32>
    %sub3A_84 = arith.subf %sub3A_82, %sub3A_83 : vector<256x1024xf32>
    %mul3A_85 = arith.mulf %sub3A_78, %sub3A : vector<256x1024xf32>
    %mul3A_86 = arith.mulf %sub3A_81, %sub3A_57 : vector<256x1024xf32>
    %add3A_87 = arith.addf %mul3A_85, %mul3A_86 : vector<256x1024xf32>
    %mul3A_88 = arith.mulf %sub3A_84, %sub3A_64 : vector<256x1024xf32>
    %add3A_89 = arith.addf %add3A_87, %mul3A_88 : vector<256x1024xf32>
    %mul3A_90 = arith.mulf %add3A_89, %select_n3A : vector<256x1024xf32>
    %mul3A_91 = vector.broadcast %get3A_36 : vector<1x1024xf32> to vector<256x1024xf32>
    %mul3A_92 = arith.mulf %sub3A_81, %mul3A_91 : vector<256x1024xf32>
    %mul3A_93 = vector.broadcast %get3A_33 : vector<1x1024xf32> to vector<256x1024xf32>
    %mul3A_94 = arith.mulf %sub3A_84, %mul3A_93 : vector<256x1024xf32>
    %sub3A_95 = arith.subf %mul3A_92, %mul3A_94 : vector<256x1024xf32>
    %mul3A_96 = vector.broadcast %get3A_30 : vector<1x1024xf32> to vector<256x1024xf32>
    %mul3A_97 = arith.mulf %sub3A_84, %mul3A_96 : vector<256x1024xf32>
    %mul3A_98 = vector.broadcast %get3A_36 : vector<1x1024xf32> to vector<256x1024xf32>
    %mul3A_99 = arith.mulf %sub3A_78, %mul3A_98 : vector<256x1024xf32>
    %sub3A_100 = arith.subf %mul3A_97, %mul3A_99 : vector<256x1024xf32>
    %mul3A_101 = vector.broadcast %get3A_33 : vector<1x1024xf32> to vector<256x1024xf32>
    %mul3A_102 = arith.mulf %sub3A_78, %mul3A_101 : vector<256x1024xf32>
    %mul3A_103 = vector.broadcast %get3A_30 : vector<1x1024xf32> to vector<256x1024xf32>
    %mul3A_104 = arith.mulf %sub3A_81, %mul3A_103 : vector<256x1024xf32>
    %sub3A_105 = arith.subf %mul3A_102, %mul3A_104 : vector<256x1024xf32>
    %mul3A_106 = vector.broadcast %get3A_12 : vector<256x1xf32> to vector<256x1024xf32>
    %mul3A_107 = arith.mulf %mul3A_106, %sub3A_95 : vector<256x1024xf32>
    %mul3A_108 = vector.broadcast %get3A_15 : vector<256x1xf32> to vector<256x1024xf32>
    %mul3A_109 = arith.mulf %mul3A_108, %sub3A_100 : vector<256x1024xf32>
    %add3A_110 = arith.addf %mul3A_107, %mul3A_109 : vector<256x1024xf32>
    %mul3A_111 = vector.broadcast %get3A_18 : vector<256x1xf32> to vector<256x1024xf32>
    %mul3A_112 = arith.mulf %mul3A_111, %sub3A_105 : vector<256x1024xf32>
    %add3A_113 = arith.addf %add3A_110, %mul3A_112 : vector<256x1024xf32>
    %mul3A_114 = arith.mulf %add3A_113, %select_n3A : vector<256x1024xf32>
    %mul3A_115 = vector.broadcast %get3A_39 : vector<1x1024xf32> to vector<256x1024xf32>
    %mul3A_116 = arith.mulf %mul3A_115, %sub3A_95 : vector<256x1024xf32>
    %mul3A_117 = vector.broadcast %get3A_42 : vector<1x1024xf32> to vector<256x1024xf32>
    %mul3A_118 = arith.mulf %mul3A_117, %sub3A_100 : vector<256x1024xf32>
    %add3A_119 = arith.addf %mul3A_116, %mul3A_118 : vector<256x1024xf32>
    %mul3A_120 = vector.broadcast %get3A_45 : vector<1x1024xf32> to vector<256x1024xf32>
    %mul3A_121 = arith.mulf %mul3A_120, %sub3A_105 : vector<256x1024xf32>
    %add3A_122 = arith.addf %add3A_119, %mul3A_121 : vector<256x1024xf32>
    %mul3A_123 = arith.mulf %add3A_122, %select_n3A : vector<256x1024xf32>
    %ge3A = arith.constant 0.000000e+00 : f32
    %ge3A_124 = vector.broadcast %ge3A : f32 to vector<256x1024xf32>
    %ge3A_125 = arith.cmpf oge, %mul3A_90, %ge3A_124 : vector<256x1024xf32>
    %ge3A_126 = arith.constant 0.000000e+00 : f32
    %ge3A_127 = vector.broadcast %ge3A_126 : f32 to vector<256x1024xf32>
    %ge3A_128 = arith.cmpf oge, %mul3A_114, %ge3A_127 : vector<256x1024xf32>
    %and3A = arith.andi %ge3A_125, %ge3A_128 : vector<256x1024xi1>
    %add3A_129 = arith.addf %mul3A_90, %mul3A_114 : vector<256x1024xf32>
    %le3A = arith.constant 1.000000e+00 : f32
    %le3A_130 = vector.broadcast %le3A : f32 to vector<256x1024xf32>
    %le3A_131 = arith.cmpf ole, %add3A_129, %le3A_130 : vector<256x1024xf32>
    %and3A_132 = arith.andi %and3A, %le3A_131 : vector<256x1024xi1>
    %gt3A_133 = arith.constant 9.99999997E-7 : f32
    %gt3A_134 = vector.broadcast %gt3A_133 : f32 to vector<256x1024xf32>
    %gt3A_135 = arith.cmpf ogt, %mul3A_123, %gt3A_134 : vector<256x1024xf32>
    %and3A_136 = arith.andi %and3A_132, %gt3A_135 : vector<256x1024xi1>
    %jit3A_137 = arith.constant 1.000000e+10 : f32
    %broadcast_in_dim3A_138 = vector.broadcast %jit3A_137 : f32 to vector<256x1024xf32>
    %select_n3A_139 = arith.select %and3A_136, %mul3A_123, %broadcast_in_dim3A_138 : vector<256x1024xi1>, vector<256x1024xf32>
    %mul3A_140 = arith.constant 1024 : i32
    %mul3A_141 = arith.muli %arg1, %mul3A_140 : i32
    %iota3A = tpu.iota {dimensions = array<i32: 1>} : vector<1x1024xi32>
    %add3A_142 = vector.broadcast %mul3A_141 : i32 to vector<1x1024xi32>
    %add3A_143 = arith.addi %add3A_142, %iota3A : vector<1x1024xi32>
    %get3A_144 = arith.constant 0 : index
    %get3A_145 = arith.constant 0 : index
    %get3A_146 = vector.load %arg6[%get3A_144, %get3A_145] : memref<256x1024xf32, #tpu.memory_space<vmem>>, vector<256x1024xf32>
    %lt3A = arith.cmpf olt, %select_n3A_139, %get3A_146 : vector<256x1024xf32>
    %get3A_147 = arith.constant 0 : index
    %get3A_148 = arith.constant 0 : index
    %get3A_149 = vector.load %arg6[%get3A_147, %get3A_148] : memref<256x1024xf32, #tpu.memory_space<vmem>>, vector<256x1024xf32>
    %select_n3A_150 = arith.select %lt3A, %select_n3A_139, %get3A_149 : vector<256x1024xi1>, vector<256x1024xf32>
    %swap3A = arith.constant 0 : index
    %swap3A_151 = arith.constant 0 : index
    %swap3A_152 = vector.load %arg6[%swap3A, %swap3A_151] : memref<256x1024xf32, #tpu.memory_space<vmem>>, vector<256x1024xf32>
    tpu.vector_store %arg6[%swap3A, %swap3A_151], %select_n3A_150 {strides = array<i32>} : memref<256x1024xf32, #tpu.memory_space<vmem>>, vector<256x1024xf32>,
    %get3A_153 = arith.constant 0 : index
    %get3A_154 = arith.constant 0 : index
    %get3A_155 = vector.load %arg7[%get3A_153, %get3A_154] : memref<256x1024xi32, #tpu.memory_space<vmem>>, vector<256x1024xi32>
    %broadcast_in_dim3A_156 = vector.shape_cast %add3A_143 : vector<1x1024xi32> to vector<1x1024xi32>
    %broadcast_in_dim3A_157 = vector.broadcast %broadcast_in_dim3A_156 : vector<1x1024xi32> to vector<256x1024xi32>
    %select_n3A_158 = arith.select %lt3A, %broadcast_in_dim3A_157, %get3A_155 : vector<256x1024xi1>, vector<256x1024xi32>
    %swap3A_159 = arith.constant 0 : index
    %swap3A_160 = arith.constant 0 : index
    %swap3A_161 = vector.load %arg7[%swap3A_159, %swap3A_160] : memref<256x1024xi32, #tpu.memory_space<vmem>>, vector<256x1024xi32>
    tpu.vector_store %arg7[%swap3A_159, %swap3A_160], %select_n3A_158 {strides = array<i32>} : memref<256x1024xi32, #tpu.memory_space<vmem>>, vector<256x1024xi32>,
    %eq3A_162 = arith.constant 39 : i32
    %eq3A_163 = arith.cmpi eq, %arg1, %eq3A_162 : i32
    %convert_element_type3A_164 = arith.extui %eq3A_163 : i1 to i32
    %cond3A_165 = arith.constant 0 : i32
    %cond3A_166 = arith.cmpi ne, %convert_element_type3A_164, %cond3A_165 : i32
    scf.if %cond3A_166 {
      %get3A_167 = arith.constant 0 : index
      %get3A_168 = arith.constant 0 : index
      %get3A_169 = vector.load %arg6[%get3A_167, %get3A_168] : memref<256x1024xf32, #tpu.memory_space<vmem>>, vector<256x1024xf32>
      %reduce_min3A = arith.constant dense<0x7F800000> : vector<256xf32>
      %reduce_min3A_170 = vector.multi_reduction <minimumf>, %get3A_169, %reduce_min3A [1] : vector<256x1024xf32> to vector<256xf32>
      %broadcast_in_dim3A_171 = vector.shape_cast %reduce_min3A_170 : vector<256xf32> to vector<256x1xf32>
      %eq3A_172 = vector.broadcast %broadcast_in_dim3A_171 : vector<256x1xf32> to vector<256x1024xf32>
      %eq3A_173 = arith.cmpf oeq, %get3A_169, %eq3A_172 : vector<256x1024xf32>
      %get3A_174 = arith.constant 0 : index
      %get3A_175 = arith.constant 0 : index
      %get3A_176 = vector.load %arg7[%get3A_174, %get3A_175] : memref<256x1024xi32, #tpu.memory_space<vmem>>, vector<256x1024xi32>
      %jit3A_177 = arith.constant 2147483647 : i32
      %broadcast_in_dim3A_178 = vector.broadcast %jit3A_177 : i32 to vector<256x1024xi32>
      %select_n3A_179 = arith.select %eq3A_173, %get3A_176, %broadcast_in_dim3A_178 : vector<256x1024xi1>, vector<256x1024xi32>
      %swap3A_180 = arith.constant 0 : index
      %swap3A_181 = vector.load %arg4[%swap3A_180] : memref<256xf32, #tpu.memory_space<vmem>>, vector<256xf32>
      tpu.vector_store %arg4[%swap3A_180], %reduce_min3A_170 {strides = array<i32>} : memref<256xf32, #tpu.memory_space<vmem>>, vector<256xf32>,
      %reduce_min3A_182 = arith.constant dense<2147483647> : vector<256xi32>
      %reduce_min3A_183 = vector.multi_reduction <minsi>, %select_n3A_179, %reduce_min3A_182 [1] : vector<256x1024xi32> to vector<256xi32>
      %swap3A_184 = arith.constant 0 : index
      %swap3A_185 = vector.load %arg5[%swap3A_184] : memref<256xi32, #tpu.memory_space<vmem>>, vector<256xi32>
      tpu.vector_store %arg5[%swap3A_184], %reduce_min3A_183 {strides = array<i32>} : memref<256xi32, #tpu.memory_space<vmem>>, vector<256xi32>,
    } else {
    }
    return
  }
  func.func @transform_0(%arg0: i32, %arg1: i32) -> (i32, i32) {
    %c0_i32 = arith.constant 0 : i32
    %c0_i32_0 = arith.constant 0 : i32
    return %arg0, %c0_i32 : i32, i32
  }
  func.func @transform_1(%arg0: i32, %arg1: i32) -> (i32, i32) {
    %c0_i32 = arith.constant 0 : i32
    %c0_i32_0 = arith.constant 0 : i32
    return %c0_i32, %arg1 : i32, i32
  }
  func.func @transform_2(%arg0: i32, %arg1: i32) -> i32 {
    %c0_i32 = arith.constant 0 : i32
    return %arg0 : i32
  }
  func.func @transform_3(%arg0: i32, %arg1: i32) -> i32 {
    %c0_i32 = arith.constant 0 : i32
    return %arg0 : i32
  }
}

module attributes {stable_mosaic.version = 14 : i64} {
  func.func @_sampler_kernel(%arg0: i32, %arg1: memref<512x8xf32, #tpu.memory_space<vmem>>, %arg2: memref<512xf32, #tpu.memory_space<vmem>>, %arg3: memref<512xi32, #tpu.memory_space<vmem>>, %arg4: memref<512x16xf32, #tpu.memory_space<vmem>>, %arg5: memref<512xi32, #tpu.memory_space<vmem>>, %arg6: memref<512xi32, #tpu.memory_space<vmem>>, %arg7: memref<512xf32, #tpu.memory_space<vmem>>, %arg8: memref<512xf32, #tpu.memory_space<vmem>>, %arg9: memref<512x128xf32, #tpu.memory_space<vmem>>, %arg10: memref<512x128xf32, #tpu.memory_space<vmem>>, %arg11: memref<512x128xf32, #tpu.memory_space<vmem>>, %arg12: memref<512x128xf32, #tpu.memory_space<vmem>>, %arg13: memref<512x128xf32, #tpu.memory_space<vmem>>, %arg14: memref<512x128xf32, #tpu.memory_space<vmem>>, %arg15: memref<512x128xf32, #tpu.memory_space<vmem>>) attributes {dimension_semantics = [#tpu.dimension_semantics<arbitrary>], iteration_bounds = array<i64: 8>, scalar_prefetch = 0 : i64, scratch_operands = 0 : i64, tpu.core_type = #tpu.core_type<tc>, window_params = [{transform_indices = @transform_0, window_bounds = array<i64: 512, 8>}, {transform_indices = @transform_1, window_bounds = array<i64: 512>}, {transform_indices = @transform_2, window_bounds = array<i64: 512>}, {transform_indices = @transform_3, window_bounds = array<i64: 512, 16>}, {transform_indices = @transform_4, window_bounds = array<i64: 512>}, {transform_indices = @transform_5, window_bounds = array<i64: 512>}, {transform_indices = @transform_6, window_bounds = array<i64: 512>}, {transform_indices = @transform_7, window_bounds = array<i64: 512>}, {transform_indices = @transform_8, window_bounds = array<i64: 512, 128>}, {transform_indices = @transform_9, window_bounds = array<i64: 512, 128>}, {transform_indices = @transform_10, window_bounds = array<i64: 512, 128>}, {transform_indices = @transform_11, window_bounds = array<i64: 512, 128>}, {transform_indices = @transform_12, window_bounds = array<i64: 512, 128>}, {transform_indices = @transform_13, window_bounds = array<i64: 512, 128>}, {transform_indices = @transform_14, window_bounds = array<i64: 512, 128>}]} {
    %get3A = arith.constant 0 : index
    %get3A_0 = vector.load %arg2[%get3A] : memref<512xf32, #tpu.memory_space<vmem>>, vector<512xf32>
    %lt3A = arith.constant 5.000000e+00 : f32
    %lt3A_1 = vector.broadcast %lt3A : f32 to vector<512xf32>
    %lt3A_2 = arith.cmpf olt, %get3A_0, %lt3A_1 : vector<512xf32>
    %jit3A = arith.constant 0.000000e+00 : f32
    %broadcast_in_dim3A = vector.broadcast %jit3A : f32 to vector<512xf32>
    %select_n3A = arith.select %lt3A_2, %get3A_0, %broadcast_in_dim3A : vector<512xi1>, vector<512xf32>
    %mul3A = arith.constant 512 : i32
    %mul3A_3 = arith.muli %arg0, %mul3A : i32
    %iota3A = tpu.iota {dimensions = array<i32: 1>} : vector<1x512xi32>
    %iota3A_4 = vector.shape_cast %iota3A : vector<1x512xi32> to vector<512xi32>
    %add3A = vector.broadcast %mul3A_3 : i32 to vector<512xi32>
    %add3A_5 = arith.addi %add3A, %iota3A_4 : vector<512xi32>
    %jit3A_6 = arith.constant -1 : i32
    %broadcast_in_dim3A_7 = vector.broadcast %jit3A_6 : i32 to vector<512xi32>
    %select_n3A_8 = arith.select %lt3A_2, %add3A_5, %broadcast_in_dim3A_7 : vector<512xi1>, vector<512xi32>
    %swap3A = arith.constant 0 : index
    %swap3A_9 = vector.load %arg5[%swap3A] : memref<512xi32, #tpu.memory_space<vmem>>, vector<512xi32>
    tpu.vector_store %arg5[%swap3A], %select_n3A_8 {strides = array<i32>} : memref<512xi32, #tpu.memory_space<vmem>>, vector<512xi32>,
    %get3A_10 = arith.constant 0 : index
    %get3A_11 = vector.load %arg3[%get3A_10] : memref<512xi32, #tpu.memory_space<vmem>>, vector<512xi32>
    %jit3A_12 = arith.constant -1 : i32
    %broadcast_in_dim3A_13 = vector.broadcast %jit3A_12 : i32 to vector<512xi32>
    %select_n3A_14 = arith.select %lt3A_2, %get3A_11, %broadcast_in_dim3A_13 : vector<512xi1>, vector<512xi32>
    %swap3A_15 = arith.constant 0 : index
    %swap3A_16 = vector.load %arg6[%swap3A_15] : memref<512xi32, #tpu.memory_space<vmem>>, vector<512xi32>
    tpu.vector_store %arg6[%swap3A_15], %select_n3A_14 {strides = array<i32>} : memref<512xi32, #tpu.memory_space<vmem>>, vector<512xi32>,
    %swap3A_17 = arith.constant 0 : index
    %swap3A_18 = vector.load %arg7[%swap3A_17] : memref<512xf32, #tpu.memory_space<vmem>>, vector<512xf32>
    tpu.vector_store %arg7[%swap3A_17], %select_n3A {strides = array<i32>} : memref<512xf32, #tpu.memory_space<vmem>>, vector<512xf32>,
    %add3A_19 = arith.constant 5.000000e-02 : f32
    %add3A_20 = vector.broadcast %add3A_19 : f32 to vector<512xf32>
    %add3A_21 = arith.addf %select_n3A, %add3A_20 : vector<512xf32>
    %jit3A_22 = arith.constant 0.000000e+00 : f32
    %broadcast_in_dim3A_23 = vector.broadcast %jit3A_22 : f32 to vector<512xf32>
    %select_n3A_24 = arith.select %lt3A_2, %add3A_21, %broadcast_in_dim3A_23 : vector<512xi1>, vector<512xf32>
    %swap3A_25 = arith.constant 0 : index
    %swap3A_26 = vector.load %arg8[%swap3A_25] : memref<512xf32, #tpu.memory_space<vmem>>, vector<512xf32>
    tpu.vector_store %arg8[%swap3A_25], %select_n3A_24 {strides = array<i32>} : memref<512xf32, #tpu.memory_space<vmem>>, vector<512xf32>,
    %get3A_27 = arith.constant 0 : index
    %get3A_28 = arith.constant 0 : index
    %get3A_29 = vector.load %arg1[%get3A_27, %get3A_28] : memref<512x8xf32, #tpu.memory_space<vmem>>, vector<512x1xf32>
    %get3A_30 = arith.constant 0 : index
    %get3A_31 = arith.constant 1 : index
    %get3A_32 = vector.load %arg1[%get3A_30, %get3A_31] : memref<512x8xf32, #tpu.memory_space<vmem>>, vector<512x1xf32>
    %get3A_33 = arith.constant 0 : index
    %get3A_34 = arith.constant 2 : index
    %get3A_35 = vector.load %arg1[%get3A_33, %get3A_34] : memref<512x8xf32, #tpu.memory_space<vmem>>, vector<512x1xf32>
    %get3A_36 = arith.constant 0 : index
    %get3A_37 = arith.constant 3 : index
    %get3A_38 = vector.load %arg1[%get3A_36, %get3A_37] : memref<512x8xf32, #tpu.memory_space<vmem>>, vector<512x1xf32>
    %get3A_39 = arith.constant 0 : index
    %get3A_40 = arith.constant 4 : index
    %get3A_41 = vector.load %arg1[%get3A_39, %get3A_40] : memref<512x8xf32, #tpu.memory_space<vmem>>, vector<512x1xf32>
    %get3A_42 = arith.constant 0 : index
    %get3A_43 = arith.constant 5 : index
    %get3A_44 = vector.load %arg1[%get3A_42, %get3A_43] : memref<512x8xf32, #tpu.memory_space<vmem>>, vector<512x1xf32>
    %broadcast_in_dim3A_45 = vector.shape_cast %select_n3A : vector<512xf32> to vector<512x1xf32>
    %mul3A_46 = arith.mulf %broadcast_in_dim3A_45, %get3A_38 : vector<512x1xf32>
    %add3A_47 = arith.addf %get3A_29, %mul3A_46 : vector<512x1xf32>
    %mul3A_48 = arith.mulf %broadcast_in_dim3A_45, %get3A_41 : vector<512x1xf32>
    %add3A_49 = arith.addf %get3A_32, %mul3A_48 : vector<512x1xf32>
    %mul3A_50 = arith.mulf %broadcast_in_dim3A_45, %get3A_44 : vector<512x1xf32>
    %add3A_51 = arith.addf %get3A_35, %mul3A_50 : vector<512x1xf32>
    %iota3A_52 = tpu.iota {dimensions = array<i32: 1>} : vector<1x128xi32>
    %convert_element_type3A = arith.sitofp %iota3A_52 : vector<1x128xi32> to vector<1x128xf32>
    %mul3A_53 = arith.constant 3.906250e-04 : f32
    %mul3A_54 = vector.broadcast %mul3A_53 : f32 to vector<1x128xf32>
    %mul3A_55 = arith.mulf %mul3A_54, %convert_element_type3A : vector<1x128xf32>
    %mul3A_56 = vector.broadcast %mul3A_55 : vector<1x128xf32> to vector<512x128xf32>
    %mul3A_57 = vector.broadcast %get3A_38 : vector<512x1xf32> to vector<512x128xf32>
    %mul3A_58 = arith.mulf %mul3A_56, %mul3A_57 : vector<512x128xf32>
    %add3A_59 = vector.broadcast %add3A_47 : vector<512x1xf32> to vector<512x128xf32>
    %add3A_60 = arith.addf %add3A_59, %mul3A_58 : vector<512x128xf32>
    %mul3A_61 = vector.broadcast %mul3A_55 : vector<1x128xf32> to vector<512x128xf32>
    %mul3A_62 = vector.broadcast %get3A_41 : vector<512x1xf32> to vector<512x128xf32>
    %mul3A_63 = arith.mulf %mul3A_61, %mul3A_62 : vector<512x128xf32>
    %add3A_64 = vector.broadcast %add3A_49 : vector<512x1xf32> to vector<512x128xf32>
    %add3A_65 = arith.addf %add3A_64, %mul3A_63 : vector<512x128xf32>
    %mul3A_66 = vector.broadcast %mul3A_55 : vector<1x128xf32> to vector<512x128xf32>
    %mul3A_67 = vector.broadcast %get3A_44 : vector<512x1xf32> to vector<512x128xf32>
    %mul3A_68 = arith.mulf %mul3A_66, %mul3A_67 : vector<512x128xf32>
    %add3A_69 = vector.broadcast %add3A_51 : vector<512x1xf32> to vector<512x128xf32>
    %add3A_70 = arith.addf %add3A_69, %mul3A_68 : vector<512x128xf32>
    %get3A_71 = arith.constant 0 : index
    %get3A_72 = arith.constant 0 : index
    %get3A_73 = vector.load %arg4[%get3A_71, %get3A_72] : memref<512x16xf32, #tpu.memory_space<vmem>>, vector<512x1xf32>
    %get3A_74 = arith.constant 0 : index
    %get3A_75 = arith.constant 1 : index
    %get3A_76 = vector.load %arg4[%get3A_74, %get3A_75] : memref<512x16xf32, #tpu.memory_space<vmem>>, vector<512x1xf32>
    %get3A_77 = arith.constant 0 : index
    %get3A_78 = arith.constant 2 : index
    %get3A_79 = vector.load %arg4[%get3A_77, %get3A_78] : memref<512x16xf32, #tpu.memory_space<vmem>>, vector<512x1xf32>
    %get3A_80 = arith.constant 0 : index
    %get3A_81 = arith.constant 3 : index
    %get3A_82 = vector.load %arg4[%get3A_80, %get3A_81] : memref<512x16xf32, #tpu.memory_space<vmem>>, vector<512x1xf32>
    %sub3A = arith.subf %get3A_82, %get3A_73 : vector<512x1xf32>
    %get3A_83 = arith.constant 0 : index
    %get3A_84 = arith.constant 4 : index
    %get3A_85 = vector.load %arg4[%get3A_83, %get3A_84] : memref<512x16xf32, #tpu.memory_space<vmem>>, vector<512x1xf32>
    %sub3A_86 = arith.subf %get3A_85, %get3A_76 : vector<512x1xf32>
    %get3A_87 = arith.constant 0 : index
    %get3A_88 = arith.constant 5 : index
    %get3A_89 = vector.load %arg4[%get3A_87, %get3A_88] : memref<512x16xf32, #tpu.memory_space<vmem>>, vector<512x1xf32>
    %sub3A_90 = arith.subf %get3A_89, %get3A_79 : vector<512x1xf32>
    %get3A_91 = arith.constant 0 : index
    %get3A_92 = arith.constant 6 : index
    %get3A_93 = vector.load %arg4[%get3A_91, %get3A_92] : memref<512x16xf32, #tpu.memory_space<vmem>>, vector<512x1xf32>
    %sub3A_94 = arith.subf %get3A_93, %get3A_73 : vector<512x1xf32>
    %get3A_95 = arith.constant 0 : index
    %get3A_96 = arith.constant 7 : index
    %get3A_97 = vector.load %arg4[%get3A_95, %get3A_96] : memref<512x16xf32, #tpu.memory_space<vmem>>, vector<512x1xf32>
    %sub3A_98 = arith.subf %get3A_97, %get3A_76 : vector<512x1xf32>
    %get3A_99 = arith.constant 0 : index
    %get3A_100 = arith.constant 8 : index
    %get3A_101 = vector.load %arg4[%get3A_99, %get3A_100] : memref<512x16xf32, #tpu.memory_space<vmem>>, vector<512x1xf32>
    %sub3A_102 = arith.subf %get3A_101, %get3A_79 : vector<512x1xf32>
    %get3A_103 = arith.constant 0 : index
    %get3A_104 = arith.constant 9 : index
    %get3A_105 = vector.load %arg4[%get3A_103, %get3A_104] : memref<512x16xf32, #tpu.memory_space<vmem>>, vector<512x1xf32>
    %sub3A_106 = arith.subf %get3A_105, %get3A_73 : vector<512x1xf32>
    %get3A_107 = arith.constant 0 : index
    %get3A_108 = arith.constant 10 : index
    %get3A_109 = vector.load %arg4[%get3A_107, %get3A_108] : memref<512x16xf32, #tpu.memory_space<vmem>>, vector<512x1xf32>
    %sub3A_110 = arith.subf %get3A_109, %get3A_76 : vector<512x1xf32>
    %get3A_111 = arith.constant 0 : index
    %get3A_112 = arith.constant 11 : index
    %get3A_113 = vector.load %arg4[%get3A_111, %get3A_112] : memref<512x16xf32, #tpu.memory_space<vmem>>, vector<512x1xf32>
    %sub3A_114 = arith.subf %get3A_113, %get3A_79 : vector<512x1xf32>
    %add3A_115 = arith.constant 9.99999974E-6 : f32
    %add3A_116 = vector.broadcast %add3A_115 : f32 to vector<512x1xf32>
    %add3A_117 = arith.addf %sub3A, %add3A_116 : vector<512x1xf32>
    %add3A_118 = arith.constant 9.99999974E-6 : f32
    %add3A_119 = vector.broadcast %add3A_118 : f32 to vector<512x1xf32>
    %add3A_120 = arith.addf %sub3A_98, %add3A_119 : vector<512x1xf32>
    %add3A_121 = arith.constant 9.99999974E-6 : f32
    %add3A_122 = vector.broadcast %add3A_121 : f32 to vector<512x1xf32>
    %add3A_123 = arith.addf %sub3A_114, %add3A_122 : vector<512x1xf32>
    %sub3A_124 = vector.broadcast %get3A_73 : vector<512x1xf32> to vector<512x128xf32>
    %sub3A_125 = arith.subf %add3A_60, %sub3A_124 : vector<512x128xf32>
    %sub3A_126 = vector.broadcast %get3A_76 : vector<512x1xf32> to vector<512x128xf32>
    %sub3A_127 = arith.subf %add3A_65, %sub3A_126 : vector<512x128xf32>
    %sub3A_128 = vector.broadcast %get3A_79 : vector<512x1xf32> to vector<512x128xf32>
    %sub3A_129 = arith.subf %add3A_70, %sub3A_128 : vector<512x128xf32>
    %abs3A = math.absf %add3A_117 : vector<512x1xf32>
    %abs3A_130 = math.absf %sub3A_86 : vector<512x1xf32>
    %abs3A_131 = math.absf %sub3A_90 : vector<512x1xf32>
    %max3A = arith.maximumf %abs3A, %abs3A_130 : vector<512x1xf32>
    %gt3A = arith.cmpf ogt, %abs3A_131, %max3A : vector<512x1xf32>
    %gt3A_132 = arith.cmpf ogt, %abs3A_130, %abs3A : vector<512x1xf32>
    %not3A = arith.constant dense<true> : vector<512x1xi1>
    %not3A_133 = arith.xori %gt3A, %not3A : vector<512x1xi1>
    %and3A = arith.andi %gt3A_132, %not3A_133 : vector<512x1xi1>
    %select_n3A_134 = arith.select %and3A, %sub3A_86, %add3A_117 : vector<512x1xi1>, vector<512x1xf32>
    %select_n3A_135 = arith.select %gt3A, %sub3A_90, %select_n3A_134 : vector<512x1xi1>, vector<512x1xf32>
    %select_n3A_136 = arith.select %and3A, %add3A_120, %sub3A_94 : vector<512x1xi1>, vector<512x1xf32>
    %select_n3A_137 = arith.select %gt3A, %sub3A_102, %select_n3A_136 : vector<512x1xi1>, vector<512x1xf32>
    %select_n3A_138 = arith.select %and3A, %sub3A_110, %sub3A_106 : vector<512x1xi1>, vector<512x1xf32>
    %select_n3A_139 = arith.select %gt3A, %add3A_123, %select_n3A_138 : vector<512x1xi1>, vector<512x1xf32>
    %select_n3A_140 = arith.select %and3A, %add3A_117, %sub3A_86 : vector<512x1xi1>, vector<512x1xf32>
    %select_n3A_141 = arith.select %and3A, %sub3A_94, %add3A_120 : vector<512x1xi1>, vector<512x1xf32>
    %select_n3A_142 = arith.select %and3A, %sub3A_106, %sub3A_110 : vector<512x1xi1>, vector<512x1xf32>
    %select_n3A_143 = arith.select %gt3A, %add3A_117, %sub3A_90 : vector<512x1xi1>, vector<512x1xf32>
    %select_n3A_144 = arith.select %gt3A, %sub3A_94, %sub3A_102 : vector<512x1xi1>, vector<512x1xf32>
    %select_n3A_145 = arith.select %gt3A, %sub3A_106, %add3A_123 : vector<512x1xi1>, vector<512x1xf32>
    %broadcast_in_dim3A_146 = vector.shape_cast %and3A : vector<512x1xi1> to vector<512x1xi1>
    %broadcast_in_dim3A_147 = vector.broadcast %broadcast_in_dim3A_146 : vector<512x1xi1> to vector<512x128xi1>
    %select_n3A_148 = arith.select %broadcast_in_dim3A_147, %sub3A_127, %sub3A_125 : vector<512x128xi1>, vector<512x128xf32>
    %broadcast_in_dim3A_149 = vector.shape_cast %gt3A : vector<512x1xi1> to vector<512x1xi1>
    %broadcast_in_dim3A_150 = vector.broadcast %broadcast_in_dim3A_149 : vector<512x1xi1> to vector<512x128xi1>
    %select_n3A_151 = arith.select %broadcast_in_dim3A_150, %sub3A_129, %select_n3A_148 : vector<512x128xi1>, vector<512x128xf32>
    %broadcast_in_dim3A_152 = vector.shape_cast %and3A : vector<512x1xi1> to vector<512x1xi1>
    %broadcast_in_dim3A_153 = vector.broadcast %broadcast_in_dim3A_152 : vector<512x1xi1> to vector<512x128xi1>
    %select_n3A_154 = arith.select %broadcast_in_dim3A_153, %sub3A_125, %sub3A_127 : vector<512x128xi1>, vector<512x128xf32>
    %broadcast_in_dim3A_155 = vector.shape_cast %gt3A : vector<512x1xi1> to vector<512x1xi1>
    %broadcast_in_dim3A_156 = vector.broadcast %broadcast_in_dim3A_155 : vector<512x1xi1> to vector<512x128xi1>
    %select_n3A_157 = arith.select %broadcast_in_dim3A_156, %sub3A_125, %sub3A_129 : vector<512x128xi1>, vector<512x128xf32>
    %div3A = arith.divf %select_n3A_140, %select_n3A_135 : vector<512x1xf32>
    %div3A_158 = arith.divf %select_n3A_143, %select_n3A_135 : vector<512x1xf32>
    %mul3A_159 = arith.mulf %div3A, %select_n3A_137 : vector<512x1xf32>
    %sub3A_160 = arith.subf %select_n3A_141, %mul3A_159 : vector<512x1xf32>
    %mul3A_161 = arith.mulf %div3A, %select_n3A_139 : vector<512x1xf32>
    %sub3A_162 = arith.subf %select_n3A_142, %mul3A_161 : vector<512x1xf32>
    %mul3A_163 = arith.mulf %div3A_158, %select_n3A_137 : vector<512x1xf32>
    %sub3A_164 = arith.subf %select_n3A_144, %mul3A_163 : vector<512x1xf32>
    %mul3A_165 = arith.mulf %div3A_158, %select_n3A_139 : vector<512x1xf32>
    %sub3A_166 = arith.subf %select_n3A_145, %mul3A_165 : vector<512x1xf32>
    %mul3A_167 = vector.broadcast %div3A : vector<512x1xf32> to vector<512x128xf32>
    %mul3A_168 = arith.mulf %mul3A_167, %select_n3A_151 : vector<512x128xf32>
    %sub3A_169 = arith.subf %select_n3A_154, %mul3A_168 : vector<512x128xf32>
    %mul3A_170 = vector.broadcast %div3A_158 : vector<512x1xf32> to vector<512x128xf32>
    %mul3A_171 = arith.mulf %mul3A_170, %select_n3A_151 : vector<512x128xf32>
    %sub3A_172 = arith.subf %select_n3A_157, %mul3A_171 : vector<512x128xf32>
    %abs3A_173 = math.absf %sub3A_164 : vector<512x1xf32>
    %abs3A_174 = math.absf %sub3A_160 : vector<512x1xf32>
    %gt3A_175 = arith.cmpf ogt, %abs3A_173, %abs3A_174 : vector<512x1xf32>
    %select_n3A_176 = arith.select %gt3A_175, %sub3A_164, %sub3A_160 : vector<512x1xi1>, vector<512x1xf32>
    %select_n3A_177 = arith.select %gt3A_175, %sub3A_166, %sub3A_162 : vector<512x1xi1>, vector<512x1xf32>
    %select_n3A_178 = arith.select %gt3A_175, %sub3A_160, %sub3A_164 : vector<512x1xi1>, vector<512x1xf32>
    %select_n3A_179 = arith.select %gt3A_175, %sub3A_162, %sub3A_166 : vector<512x1xi1>, vector<512x1xf32>
    %broadcast_in_dim3A_180 = vector.shape_cast %gt3A_175 : vector<512x1xi1> to vector<512x1xi1>
    %broadcast_in_dim3A_181 = vector.broadcast %broadcast_in_dim3A_180 : vector<512x1xi1> to vector<512x128xi1>
    %select_n3A_182 = arith.select %broadcast_in_dim3A_181, %sub3A_172, %sub3A_169 : vector<512x128xi1>, vector<512x128xf32>
    %broadcast_in_dim3A_183 = vector.shape_cast %gt3A_175 : vector<512x1xi1> to vector<512x1xi1>
    %broadcast_in_dim3A_184 = vector.broadcast %broadcast_in_dim3A_183 : vector<512x1xi1> to vector<512x128xi1>
    %select_n3A_185 = arith.select %broadcast_in_dim3A_184, %sub3A_169, %sub3A_172 : vector<512x128xi1>, vector<512x128xf32>
    %div3A_186 = arith.divf %select_n3A_178, %select_n3A_176 : vector<512x1xf32>
    %mul3A_187 = arith.mulf %div3A_186, %select_n3A_177 : vector<512x1xf32>
    %sub3A_188 = arith.subf %select_n3A_179, %mul3A_187 : vector<512x1xf32>
    %mul3A_189 = vector.broadcast %div3A_186 : vector<512x1xf32> to vector<512x128xf32>
    %mul3A_190 = arith.mulf %mul3A_189, %select_n3A_182 : vector<512x128xf32>
    %sub3A_191 = arith.subf %select_n3A_185, %mul3A_190 : vector<512x128xf32>
    %div3A_192 = vector.broadcast %sub3A_188 : vector<512x1xf32> to vector<512x128xf32>
    %div3A_193 = arith.divf %sub3A_191, %div3A_192 : vector<512x128xf32>
    %mul3A_194 = vector.broadcast %select_n3A_177 : vector<512x1xf32> to vector<512x128xf32>
    %mul3A_195 = arith.mulf %mul3A_194, %div3A_193 : vector<512x128xf32>
    %sub3A_196 = arith.subf %select_n3A_182, %mul3A_195 : vector<512x128xf32>
    %div3A_197 = vector.broadcast %select_n3A_176 : vector<512x1xf32> to vector<512x128xf32>
    %div3A_198 = arith.divf %sub3A_196, %div3A_197 : vector<512x128xf32>
    %mul3A_199 = vector.broadcast %select_n3A_137 : vector<512x1xf32> to vector<512x128xf32>
    %mul3A_200 = arith.mulf %mul3A_199, %div3A_198 : vector<512x128xf32>
    %sub3A_201 = arith.subf %select_n3A_151, %mul3A_200 : vector<512x128xf32>
    %mul3A_202 = vector.broadcast %select_n3A_139 : vector<512x1xf32> to vector<512x128xf32>
    %mul3A_203 = arith.mulf %mul3A_202, %div3A_193 : vector<512x128xf32>
    %sub3A_204 = arith.subf %sub3A_201, %mul3A_203 : vector<512x128xf32>
    %div3A_205 = vector.broadcast %select_n3A_135 : vector<512x1xf32> to vector<512x128xf32>
    %div3A_206 = arith.divf %sub3A_204, %div3A_205 : vector<512x128xf32>
    %add3A_207 = arith.addf %div3A_206, %div3A_198 : vector<512x128xf32>
    %add3A_208 = arith.addf %add3A_207, %div3A_193 : vector<512x128xf32>
    %sub3A_209 = arith.constant 1.000000e+00 : f32
    %sub3A_210 = vector.broadcast %sub3A_209 : f32 to vector<512x128xf32>
    %sub3A_211 = arith.subf %sub3A_210, %add3A_208 : vector<512x128xf32>
    %convert_element_type3A_212 = arith.extui %lt3A_2 : vector<512xi1> to vector<512xi32>
    %convert_element_type3A_213 = arith.sitofp %convert_element_type3A_212 : vector<512xi32> to vector<512xf32>
    %broadcast_in_dim3A_214 = vector.shape_cast %convert_element_type3A_213 : vector<512xf32> to vector<512x1xf32>
    %mul3A_215 = vector.broadcast %broadcast_in_dim3A_214 : vector<512x1xf32> to vector<512x128xf32>
    %mul3A_216 = arith.mulf %sub3A_211, %mul3A_215 : vector<512x128xf32>
    %swap3A_217 = arith.constant 0 : index
    %swap3A_218 = arith.constant 0 : index
    %swap3A_219 = vector.load %arg9[%swap3A_217, %swap3A_218] : memref<512x128xf32, #tpu.memory_space<vmem>>, vector<512x128xf32>
    tpu.vector_store %arg9[%swap3A_217, %swap3A_218], %mul3A_216 {strides = array<i32>} : memref<512x128xf32, #tpu.memory_space<vmem>>, vector<512x128xf32>,
    %mul3A_220 = vector.broadcast %broadcast_in_dim3A_214 : vector<512x1xf32> to vector<512x128xf32>
    %mul3A_221 = arith.mulf %div3A_206, %mul3A_220 : vector<512x128xf32>
    %swap3A_222 = arith.constant 0 : index
    %swap3A_223 = arith.constant 0 : index
    %swap3A_224 = vector.load %arg10[%swap3A_222, %swap3A_223] : memref<512x128xf32, #tpu.memory_space<vmem>>, vector<512x128xf32>
    tpu.vector_store %arg10[%swap3A_222, %swap3A_223], %mul3A_221 {strides = array<i32>} : memref<512x128xf32, #tpu.memory_space<vmem>>, vector<512x128xf32>,
    %mul3A_225 = vector.broadcast %broadcast_in_dim3A_214 : vector<512x1xf32> to vector<512x128xf32>
    %mul3A_226 = arith.mulf %div3A_198, %mul3A_225 : vector<512x128xf32>
    %swap3A_227 = arith.constant 0 : index
    %swap3A_228 = arith.constant 0 : index
    %swap3A_229 = vector.load %arg11[%swap3A_227, %swap3A_228] : memref<512x128xf32, #tpu.memory_space<vmem>>, vector<512x128xf32>
    tpu.vector_store %arg11[%swap3A_227, %swap3A_228], %mul3A_226 {strides = array<i32>} : memref<512x128xf32, #tpu.memory_space<vmem>>, vector<512x128xf32>,
    %mul3A_230 = vector.broadcast %broadcast_in_dim3A_214 : vector<512x1xf32> to vector<512x128xf32>
    %mul3A_231 = arith.mulf %div3A_193, %mul3A_230 : vector<512x128xf32>
    %swap3A_232 = arith.constant 0 : index
    %swap3A_233 = arith.constant 0 : index
    %swap3A_234 = vector.load %arg12[%swap3A_232, %swap3A_233] : memref<512x128xf32, #tpu.memory_space<vmem>>, vector<512x128xf32>
    tpu.vector_store %arg12[%swap3A_232, %swap3A_233], %mul3A_231 {strides = array<i32>} : memref<512x128xf32, #tpu.memory_space<vmem>>, vector<512x128xf32>,
    %mul3A_235 = vector.broadcast %broadcast_in_dim3A_214 : vector<512x1xf32> to vector<512x128xf32>
    %mul3A_236 = arith.mulf %add3A_60, %mul3A_235 : vector<512x128xf32>
    %swap3A_237 = arith.constant 0 : index
    %swap3A_238 = arith.constant 0 : index
    %swap3A_239 = vector.load %arg13[%swap3A_237, %swap3A_238] : memref<512x128xf32, #tpu.memory_space<vmem>>, vector<512x128xf32>
    tpu.vector_store %arg13[%swap3A_237, %swap3A_238], %mul3A_236 {strides = array<i32>} : memref<512x128xf32, #tpu.memory_space<vmem>>, vector<512x128xf32>,
    %mul3A_240 = vector.broadcast %broadcast_in_dim3A_214 : vector<512x1xf32> to vector<512x128xf32>
    %mul3A_241 = arith.mulf %add3A_65, %mul3A_240 : vector<512x128xf32>
    %swap3A_242 = arith.constant 0 : index
    %swap3A_243 = arith.constant 0 : index
    %swap3A_244 = vector.load %arg14[%swap3A_242, %swap3A_243] : memref<512x128xf32, #tpu.memory_space<vmem>>, vector<512x128xf32>
    tpu.vector_store %arg14[%swap3A_242, %swap3A_243], %mul3A_241 {strides = array<i32>} : memref<512x128xf32, #tpu.memory_space<vmem>>, vector<512x128xf32>,
    %mul3A_245 = vector.broadcast %broadcast_in_dim3A_214 : vector<512x1xf32> to vector<512x128xf32>
    %mul3A_246 = arith.mulf %add3A_70, %mul3A_245 : vector<512x128xf32>
    %swap3A_247 = arith.constant 0 : index
    %swap3A_248 = arith.constant 0 : index
    %swap3A_249 = vector.load %arg15[%swap3A_247, %swap3A_248] : memref<512x128xf32, #tpu.memory_space<vmem>>, vector<512x128xf32>
    tpu.vector_store %arg15[%swap3A_247, %swap3A_248], %mul3A_246 {strides = array<i32>} : memref<512x128xf32, #tpu.memory_space<vmem>>, vector<512x128xf32>,
    return
  }
  func.func @transform_0(%arg0: i32) -> (i32, i32) {
    %c0_i32 = arith.constant 0 : i32
    %c0_i32_0 = arith.constant 0 : i32
    return %arg0, %c0_i32 : i32, i32
  }
  func.func @transform_1(%arg0: i32) -> i32 {
    %c0_i32 = arith.constant 0 : i32
    return %arg0 : i32
  }
  func.func @transform_2(%arg0: i32) -> i32 {
    %c0_i32 = arith.constant 0 : i32
    return %arg0 : i32
  }
  func.func @transform_3(%arg0: i32) -> (i32, i32) {
    %c0_i32 = arith.constant 0 : i32
    %c0_i32_0 = arith.constant 0 : i32
    return %arg0, %c0_i32 : i32, i32
  }
  func.func @transform_4(%arg0: i32) -> i32 {
    %c0_i32 = arith.constant 0 : i32
    return %arg0 : i32
  }
  func.func @transform_5(%arg0: i32) -> i32 {
    %c0_i32 = arith.constant 0 : i32
    return %arg0 : i32
  }
  func.func @transform_6(%arg0: i32) -> i32 {
    %c0_i32 = arith.constant 0 : i32
    return %arg0 : i32
  }
  func.func @transform_7(%arg0: i32) -> i32 {
    %c0_i32 = arith.constant 0 : i32
    return %arg0 : i32
  }
  func.func @transform_8(%arg0: i32) -> (i32, i32) {
    %c0_i32 = arith.constant 0 : i32
    %c0_i32_0 = arith.constant 0 : i32
    return %arg0, %c0_i32 : i32, i32
  }
  func.func @transform_9(%arg0: i32) -> (i32, i32) {
    %c0_i32 = arith.constant 0 : i32
    %c0_i32_0 = arith.constant 0 : i32
    return %arg0, %c0_i32 : i32, i32
  }
  func.func @transform_10(%arg0: i32) -> (i32, i32) {
    %c0_i32 = arith.constant 0 : i32
    %c0_i32_0 = arith.constant 0 : i32
    return %arg0, %c0_i32 : i32, i32
  }
  func.func @transform_11(%arg0: i32) -> (i32, i32) {
    %c0_i32 = arith.constant 0 : i32
    %c0_i32_0 = arith.constant 0 : i32
    return %arg0, %c0_i32 : i32, i32
  }
  func.func @transform_12(%arg0: i32) -> (i32, i32) {
    %c0_i32 = arith.constant 0 : i32
    %c0_i32_0 = arith.constant 0 : i32
    return %arg0, %c0_i32 : i32, i32
  }
  func.func @transform_13(%arg0: i32) -> (i32, i32) {
    %c0_i32 = arith.constant 0 : i32
    %c0_i32_0 = arith.constant 0 : i32
    return %arg0, %c0_i32 : i32, i32
  }
  func.func @transform_14(%arg0: i32) -> (i32, i32) {
    %c0_i32 = arith.constant 0 : i32
    %c0_i32_0 = arith.constant 0 : i32
    return %arg0, %c0_i32 : i32, i32
  }
}

</mosaic_0001>

<sc_bundles>
// kernel: kernel.6.cloned.1.call-start
scs
__scs_entry_jumppad:
0x0: {  	(pc) =	sbr.rel $0x88, $3  }
0x1: {  	(tag) =	ssettag $0x0;
	lr =	simm.s32 $0x1  }
0x2: {  	[smem:$0x3F9C] =	sst lr;
	_ =	strace $0xD0000000  }
0x3: {  	_ = 	snop  }
0x4: {  	_ = 	snop  }
0x5: {  	_ = 	snop  }
0x6: {  	_ = 	snop  }
0x7: {  	_ = 	snop  }
__scs_overlays_trampoline_lowered:
0x8: {  	[smem:$0x3FAB] =	sst s0  }
0x9: {  	[smem:$0x3FAC] =	sst s1  }
0xa: {  	[smem:$0x3FAD] =	sst s2  }
0xb: {  	[smem:$0x3FAE] =	sst s3  }
0xc: {  	[smem:$0x3FAF] =	sst s4  }
0xd: {  	[smem:$0x3FB0] =	sst s5  }
0xe: {  	[smem:$0x3FB1] =	sst s6  }
0xf: {  	[smem:$0x3FB2] =	sst s7  }
0x10: {  	[smem:$0x3FB3] =	sst s8  }
0x11: {  	[smem:$0x3FB4] =	sst s9;
	s0 =	simm.s32 @!p0 $0x0  }
0x12: {  	s1 =	sld [smem:$0x3F9A];
	s0 =	simm.s32 @p0 $0x1  }
0x13: {  	[smem:$0x3FB5] =	sst s0;
	s0 =	simm.s32 @!p1 $0x0  }
0x14: {  	s2 =	sld [smem:$0x3F99];
	s0 =	simm.s32 @p1 $0x1  }
0x15: {  	[smem:$0x3FB6] =	sst s0;
	s0 =	simm.s32 @!p2 $0x0  }
0x16: {  	s3 =	sld [smem:$0x3FDB];
	s0 =	simm.s32 @p2 $0x1  }
0x17: {  	s4 =	simm.s32 $0x1BF5;
	[smem:$0x3FB8] =	sst s0  }
0x18: {  	s0 =	sld [smem:$0x3F9B];
	_ =	swait.ge [sflag:s4], $0x0  }
0x19: {  	s7 =	sld [smem:$0x3F9C]  }
0x1a: {  	s8 =	sadd.s32 $0xFFFFE003, lr  }
0x1b: {  	s9 =	sadd.s32 $0xFFFFFEF7, lr;
	s5 =	simm.s32 $0xFFFFFFFF;
	p2 =	slt.u32 s8, $0xFFFFF086  }
0x1c: {  	p1 =	slt.u32 s9, $0xF7A;
	s5 =	simm.s32 @!p2 $0x0  }
0x1d: {  	s5 =	simm.s32 @p1 $0x1;
	p0 =	seq.s32 s7, s2  }
0x1e: {  	s7 =	smul.u32 @!p0 $0xF7A, s2;
	p2 =	seq.s32 @!p0 s5, $0x0  }
0x1f: {  	s9 =	smul.u32 $0xF7A, s1;
	s8 =	simm.s32 @!p0 $0x1BF5;
	p2 =	por !p2, p0  }
0x20: {  	[sflag:s8] =	ssyncset.s32 @!p0 $0xFFFFF086;
	s6 =	sadd.s32 @!p0 s3, s7;
	s7 =	simm.s32 @!p0 $0x108  }
0x21: {  	s3 =	sadd.s32 s3, s9;
	s6 =	sadd.s32 @!p0 $0x88, s6;
	s7 =	simm.s32 @p2 $0x1082  }
0x22: {  	[simem:s7], [sflag:s8] =	dma.local @!p0 [hbm:s6], $0xF7A  }
0x23: {  	s9 =	sor.u32 $0xD0000000, s2;
	s6 =	simm.s32 $0x108;
	_ =	swait.ge @!p0 [sflag:s8], $0x0  }
0x24: {  	s3 =	sadd.s32 $0x88, s3;
	s6 =	simm.s32 @!p1 $0x1082;
	[sflag:s4] =	ssyncset.s32 $0xFFFFF086  }
0x25: {  	[simem:s6], [sflag:s4] =	dma.local [hbm:s3], $0xF7A  }
0x26: {  	[smem:$0x3F9C] =	sst s1;
	(tag) =	ssettag s2;
	_ =	strace s9  }
0x27: {  	s1 =	sld [smem:$0x3FAC]  }
0x28: {  	s2 =	sld [smem:$0x3FAD]  }
0x29: {  	s4 =	sld [smem:$0x3FAF]  }
0x2a: {  	p0 =	seq.s32 s5, $0x0;
	s5 =	sld [smem:$0x3FB0]  }
0x2b: {  	s6 =	sld [smem:$0x3FB1]  }
0x2c: {  	s7 =	sld [smem:$0x3FB2]  }
0x2d: {  	s3 =	simm.s32 $0x108;
	s8 =	sld [smem:$0x3FB3]  }
0x2e: {  	s3 =	simm.s32 @!p0 $0x1082;
	s9 =	sld [smem:$0x3FB4]  }
0x2f: {  	lr =	sadd.s32 s0, s3;
	s0 =	sld [smem:$0x3FAB]  }
0x30: {  	s3 =	sld [smem:$0x3FAE]  }
0x31: {  	[smem:$0x3FB7] =	sst s10  }
0x32: {  	s10 =	sld [smem:$0x3FB5];
	_ =	sdelay $0x3  }
0x33: {  	p0 =	seq.s32 s10, $0x1;
	s10 =	sld [smem:$0x3FB7];
	_ =	sdelay $0x3  }
0x34: {  	[smem:$0x3FB7] =	sst s10  }
0x35: {  	s10 =	sld [smem:$0x3FB6];
	_ =	sdelay $0x3  }
0x36: {  	p1 =	seq.s32 s10, $0x1;
	s10 =	sld [smem:$0x3FB7];
	_ =	sdelay $0x3  }
0x37: {  	[smem:$0x3FB7] =	sst s10  }
0x38: {  	s10 =	sld [smem:$0x3FB8]  }
0x39: {  	_ = 	snop;
	(pc) =	sbr.ind lr, $3  }
0x3a: {  	_ = 	snop  }
0x3b: {  	_ = 	snop  }
0x3c: {  	p2 =	seq.s32 s10, $0x1;
	s10 =	sld [smem:$0x3FB7]  }
0x3d: {  	_ =	shalt  }
0x3e: {  	_ =	shalt  }
0x3f: {  	_ =	shalt  }
0x40: {  	_ =	shalt  }
0x41: {  	_ =	shalt  }
0x42: {  	_ =	shalt  }
0x43: {  	_ =	shalt  }
0x44: {  	_ =	shalt  }
0x45: {  	_ =	shalt  }
0x46: {  	_ =	shalt  }
0x47: {  	_ =	shalt  }
0x48: {  	_ =	shalt  }
0x49: {  	_ =	shalt  }
0x4a: {  	_ =	shalt  }
0x4b: {  	_ =	shalt  }
0x4c: {  	_ =	shalt  }
0x4d: {  	_ =	shalt  }
0x4e: {  	_ =	shalt  }
0x4f: {  	_ =	shalt  }
0x50: {  	_ =	shalt  }
0x51: {  	_ =	shalt  }
0x52: {  	_ =	shalt  }
0x53: {  	_ =	shalt  }
0x54: {  	_ =	shalt  }
0x55: {  	_ =	shalt  }
0x56: {  	_ =	shalt  }
0x57: {  	_ =	shalt  }
0x58: {  	_ =	shalt  }
0x59: {  	_ =	shalt  }
0x5a: {  	_ =	shalt  }
0x5b: {  	_ =	shalt  }
0x5c: {  	_ =	shalt  }
0x5d: {  	_ =	shalt  }
0x5e: {  	_ =	shalt  }
0x5f: {  	_ =	shalt  }
0x60: {  	_ =	shalt  }
0x61: {  	_ =	shalt  }
0x62: {  	_ =	shalt  }
0x63: {  	_ =	shalt  }
0x64: {  	_ =	shalt  }
0x65: {  	_ =	shalt  }
0x66: {  	_ =	shalt  }
0x67: {  	_ =	shalt  }
0x68: {  	_ =	shalt  }
0x69: {  	_ =	shalt  }
0x6a: {  	_ =	shalt  }
0x6b: {  	_ =	shalt  }
0x6c: {  	_ =	shalt  }
0x6d: {  	_ =	shalt  }
0x6e: {  	_ =	shalt  }
0x6f: {  	_ =	shalt  }
0x70: {  	_ =	shalt  }
0x71: {  	_ =	shalt  }
0x72: {  	_ =	shalt  }
0x73: {  	_ =	shalt  }
0x74: {  	_ =	shalt  }
0x75: {  	_ =	shalt  }
0x76: {  	_ =	shalt  }
0x77: {  	_ =	shalt  }
0x78: {  	_ =	shalt  }
0x79: {  	_ =	shalt  }
0x7a: {  	_ =	shalt  }
0x7b: {  	_ =	shalt  }
0x7c: {  	_ =	shalt  }
0x7d: {  	_ =	shalt  }
0x7e: {  	_ =	shalt  }
0x7f: {  	_ =	shalt  }
0x80: {  	_ =	shalt  }
0x81: {  	_ =	shalt  }
0x82: {  	_ =	shalt  }
0x83: {  	_ =	shalt  }
0x84: {  	_ =	shalt  }
0x85: {  	_ =	shalt  }
0x86: {  	_ =	shalt  }
0x87: {  	_ =	shalt  }
.Lfunc_end0:
.L_simem_size_0:
called_computation_lowered:
.L_overlay_start_0:
0x88: {  	s2 =	sld [smem:$0x3FD9]  }
0x89: {  	s3 =	sld [smem:$0x3FFE];
	_ =	sdelay $0x1  }
0x8a: {  	s1 =	srdreg.scid  }
0x8b: {  	s0 =	sand.u32 $0x1, s1  }
0x8c: {  	s14 =	sshll.u32 s0, $0xA;
	s2 =	sadd.s32 s3, s2  }
0x8d: {  	s2 =	sadd.s32 s2, s14  }
0x8e: {  	[smem:$0x3FC3] =	sst s2  }
0x8f: {  	_ = 	snop  }
0x90: {  	s2 =	sld [smem:$0x3FD0];
	_ =	sdelay $0x2  }
0x91: {  	s15 =	simm.s32 $0xA;
	s4 =	simm.s32 $0x10  }
0x92: {  	[smem:s4], [sflag:s15] =	dma.local [hbm:s2], $0x1  }
0x93: {  	_ =	swait.eq [sflag:s15], $0x1  }
0x94: {  	[sflag:s15] =	ssyncset.done $0x0  }
0x95: {  	s16 =	sld [smem:$0x12];
	[sflag:s15] =	ssyncadd.s32 $0xFFFFFFFF  }
0x96: {  	s17 =	sld [smem:$0x15];
	(tm) =	ssettm $0x1  }
0x97: {  	s18 =	sld [smem:$0x3FFB];
	_ =	sdelay $0x3  }
0x98: {  	_ =	strace s18  }
0x99: {  	s4 =	sld [smem:$0x3FFC];
	_ =	sdelay $0x3  }
0x9a: {  	_ =	strace s4  }
0x9b: {  	s4 =	sld [smem:$0x3FFD];
	_ =	sdelay $0x3  }
0x9c: {  	_ =	strace s4  }
0x9d: {  	_ =	strace $0x8FFFFFFF  }
0x9e: {  	s19 =	sld [smem:$0x3FDB];
	_ =	sdelay $0x1  }
0x9f: {  	s5 =	simm.s32 $_scs_section_size  }
0xa0: {  	s6 =	simm.s32 $_size__tile_overlayer_lowered;
	s7 =	simm.s32 $_tile_overlayer_lowered  }
0xa1: {  	s22 =	simm.s32 $0x1BFF;
	s21 =	sshll.u32 s7, $0x1;
	s4 =	sadd.s32 s5, s19  }
0xa2: {  	s8 =	simm.s32 $0x0;
	s20 =	sshll.u32 s6, $0x1;
	s6 =	sadd.s32 s21, s4  }
0xa3: {  	[timem:s8], [sflag:s22] =	dma.local [hbm:s6], s20  }
0xa4: {  	_ =	swait.ge [sflag:s22], s20  }
0xa5: {  	s5 =	ssub.s32 $0x0, s20;
	[sflag:s22] =	ssyncset.done $0x0  }
0xa6: {  	[sflag:s22] =	ssyncadd.s32 s5;
	_ =	sdelay $0x1  }
0xa7: {  	s23 =	simm.s32 $0x1B8B  }
0xa8: {  	_ =	swait.ge [sflag:s23], $0x1  }
0xa9: {  	[sflag:s23] =	ssyncset.done $0x0  }
0xaa: {  	s25 =	simm.s32 $0x1B8E;
	s24 =	sld [smem:$0x3FFE];
	[sflag:s23] =	ssyncadd.s32 $0xFFFFFFFF  }
0xab: {  	s26 =	simm.s32 $execute0_lowered;
	[smem:$0x3FD2] =	sst s25  }
0xac: {  	s6 =	sshll.u32 s26, $0x1;
	_ =	strace $0x80000046;
	[dreg:$0x1] =	wrdreg $0xFFFFFFFF  }
0xad: {  	s28 =	simm.s32 $_size_execute0_lowered;
	s4 =	sadd.s32 s4, s6;
	[dreg:$0x0] =	wrdreg $0x0  }
0xae: {  	s6 =	sshll.u32 s28, $0x1;
	[dreg:$0x2] =	wrdreg s4  }
0xaf: {  	[dreg:$0x3] =	wrdreg s6  }
0xb0: {  	[dreg:$0x4] =	wrdreg $0xC0  }
0xb1: {  	_ =	task [dreg:s8], $0x5FFFF  }
0xb2: {  	[dreg:$0x1] =	wrdreg $0xFFFFFFFF  }
0xb3: {  	[dreg:$0x0] =	wrdreg $0x60  }
0xb4: {  	[dreg:$0x2] =	wrdreg s24  }
0xb5: {  	[dreg:$0x3] =	wrdreg s16  }
0xb6: {  	[dreg:$0x4] =	wrdreg s17  }
0xb7: {  	[dreg:$0x5] =	wrdreg $0x9  }
0xb8: {  	_ =	task.clear_ibuf [dreg:s8], $0x6FFFF;
	_ =	strace $0x90000046  }
0xb9: {  	s29 =	simm.s32 $0x9;
	_ =	strace $0x80000048  }
0xba: {  	_ =	swait.ge [sflag:s29], $0x1  }
0xbb: {  	[sflag:s29] =	ssyncadd.s32 $0xFFFFFFFF  }
0xbc: {  	_ =	strace $0x90000048  }
0xbd: {  	_ =	sfence  }
0xbe: {  	s30 =	sld [smem:$0x0];
	_ =	sdelay $0x2  }
0xbf: {  	s31 =	sshll.u32 s1, $0xD;
	s1 =	sshrl.u32 s1, $0x2  }
0xc0: {  	s3 =	sand.u32 $0x4000, s31;
	s1 =	sadd.s32 s1, s30  }
0xc1: {  	s0 =	sor.u32 s3, s0;
	s1 =	sshll.u32 s1, $0x11  }
0xc2: {  	s0 =	sor.u32 s1, s0  }
0xc3: {  	s0 =	sadd.s32 $0x8F2B, s0  }
0xc4: {  	[sflag:s0] =	ssyncadd.remote.s32 $0x1  }
0xc5: {  	_ =	sfence.sel $0xFFFF  }
0xc6: {  	[dreg:$0x0] =	wrdreg $0xFFFFFFFF;
	(pc) =	sbr.abs _section_cstart, $3  }
0xc7: {  	[dreg:$0x1] =	wrdreg $0xFFFFFFFF  }
0xc8: {  	_ =	task.clear_ibuf [dreg:s8], $0x2FFFF;
	_ =	strace $0x9FFFFFFF  }
0xc9: {  	(tm) =	ssettm $0x7FFFFFFF  }
tec
execute0_lowered:
.L_overlay_start_1:
0x0: {  	(tag) =	ssettag $0x1  }
0x1: {  	s3 =	rddreg [dreg:$0x0]  }
0x2: {  	s4 =	rddreg [dreg:$0x1];
	s1 =	srdreg.scid  }
0x3: {  	s0 =	stileid.u32;
	s5 =	rddreg [dreg:$0x2];
	s10 =	simm.s32 $0x50000  }
0x4: {  	s11 =	simm.s32 $0x7200;
	s6 =	sand.u32 $0x1, s1;
	s2 =	sshll.u32 s0, $0x1  }
0x5: {  	s12 =	simm.s32 $0x0;
	s1 =	rddreg [dreg:$0x3];
	s7 =	sor.u32 s6, s2  }
0x6: {  	s2 =	simm.s32 $0x0;
	s6 =	ssub.s32 $0x2, s6;
	s8 =	smul.u32 $0x280, s7  }
0x7: {  	[smem:$0x7FF] =	sst s2;
	s9 =	sshrl.u32 s6, $0x1;
	s7 =	smul.u32 $0x500, s7  }
0x8: {  	s3 =	sadd.s32 $0xC00, s3;
	_ =	strace $0x80000047;
	s6 =	ssub.s32 s6, s9  }
0x9: {  	s9 =	simm.s32 $0x2800;
	s4 =	sadd.s32 s4, s8;
	s5 =	sadd.s32 s5, s7  }
0xa: {  	s6 =	smax.u32 s6, $0x1;
	s7 =	simm.s32 $0x1;
	s8 =	simm.s32 $0x5E00  }
.LBB2_1:
0xb: {  	[tilespmem:s2], [sflag:$0x1] =	stream.linear.gather [hbm4b:s3+s2], $0x5E00, $0x38;
	[tilespmem:$0xC200] =	vst v63  }
0xc: {  	_ =	swait.ge [sflag:s7], $0x5E00  }
0xd: {  	[sflag:s7] =	ssyncset.done $0x0  }
0xe: {  	[sflag:s7] =	ssyncadd.s32 $0xFFFFA200  }
0xf: {  	[tilespmem:s8], [sflag:$0x1] =	stream.linear.gather [hbm4b:s4+s2], $0x1400, $0x38;
	[tilespmem:$0xC200] =	vst v63  }
0x10: {  	s14 =	simm.s32 $0x0;
	_ =	swait.ge [sflag:s7], $0x1400  }
0x11: {  	s13 =	sand.u32 $0x70, s2;
	s14 =	sand.u32 $0x3FFFFE00, s14;
	[sflag:s7] =	ssyncset.done $0x0  }
0x12: {  	s14 =	sor.u32 s13, s14;
	[sflag:s7] =	ssyncadd.s32 $0xFFFFEC00  }
0x13: {  	v0 =	vld [tilespmem:s14+$0x5E00]  }
0x14: {  	v2 =	vld [tilespmem:s14+$0x5F00]  }
0x15: {  	v3 =	vld [tilespmem:s14+$0x5E80];
	_ =	sdelay $0x2  }
0x16: {  	v1 =	vmul.u32 $0x3, v0  }
0x17: {  	v0 =	vmul.u32 $0x3, v2  }
0x18: {  	s15 =	simm.s32 $0x0;
	s16 =	simm.s32 $0x0;
	s14 =	simm.s32 $0x1;
	v2 =	vmul.u32 $0x3, v3  }
.LBB2_2:
0x19: {  	_ = 	snop  }
0x1a: {  	p0 =	sne.s32 s14, $0x4F  }
0x1b: {  	s15 =	sadd.s32 $0x10, s15;
	s17 =	smov.u32 s14;
	s14 =	sadd.s32 $0x1, s14  }
0x1c: {  	v3 =	vld.idx.msk [tilespmem:v1+s2+$0x0], $0xffff  }
0x1d: {  	v4 =	vld.idx.msk [tilespmem:v0+s2+$0x0], $0xffff  }
0x1e: {  	v5 =	vld.idx.msk [tilespmem:v2+s2+$0x0], $0xffff  }
0x1f: {  	s16 =	sshll.u32 s16, $0x7;
	s18 =	sand.u32 $0x70, s15;
	s19 =	sshll.u32 s17, $0x6  }
0x20: {  	s20 =	sand.u32 $0x3FFFFC00, s16;
	s16 =	smov.u32 s17;
	s19 =	sand.u32 $0x3FFFFE00, s19  }
0x21: {  	s17 =	sor.u32 s18, s19;
	s19 =	sor.u32 s13, s20;
	s13 =	smov.u32 s18  }
0x22: {  	v6 =	vadd.s32 $0x1, v1;
	[tilespmem:s19+$0x7200] =	vst v3  }
0x23: {  	v7 =	vadd.s32 $0x1, v2;
	v4 =	vsub.f32 v4, v3  }
0x24: {  	v3 =	vsub.f32 v5, v3;
	v5 =	vadd.s32 $0x1, v0  }
0x25: {  	[tilespmem:s19+$0x7500] =	vst v4  }
0x26: {  	[tilespmem:s19+$0x7380] =	vst v3  }
0x27: {  	v3 =	vld.idx.msk [tilespmem:v6+s2+$0x0], $0xffff  }
0x28: {  	v4 =	vld.idx.msk [tilespmem:v7+s2+$0x0], $0xffff  }
0x29: {  	v5 =	vld.idx.msk [tilespmem:v5+s2+$0x0], $0xffff;
	_ =	sdelay $0x3  }
0x2a: {  	v1 =	vadd.s32 $0x2, v1;
	[tilespmem:s19+$0x7280] =	vst v3  }
0x2b: {  	v2 =	vadd.s32 $0x2, v2;
	v4 =	vsub.f32 v4, v3  }
0x2c: {  	v0 =	vadd.s32 $0x2, v0;
	v3 =	vsub.f32 v5, v3  }
0x2d: {  	[tilespmem:s19+$0x7400] =	vst v4  }
0x2e: {  	[tilespmem:s19+$0x7580] =	vst v3  }
0x2f: {  	v1 =	vld.idx.msk [tilespmem:v1+s2+$0x0], $0xffff  }
0x30: {  	v2 =	vld.idx.msk [tilespmem:v2+s2+$0x0], $0xffff  }
0x31: {  	v0 =	vld.idx.msk [tilespmem:v0+s2+$0x0], $0xffff;
	_ =	sdelay $0x3  }
0x32: {  	[tilespmem:s19+$0x7300] =	vst v1  }
0x33: {  	v2 =	vsub.f32 v2, v1  }
0x34: {  	v0 =	vsub.f32 v0, v1  }
0x35: {  	[tilespmem:s19+$0x7480] =	vst v2  }
0x36: {  	[tilespmem:s19+$0x9A00] =	vst v0  }
0x37: {  	v0 =	vld [tilespmem:s17+$0x5E00]  }
0x38: {  	v2 =	vld [tilespmem:s17+$0x5F00]  }
0x39: {  	v3 =	vld [tilespmem:s17+$0x5E80]  }
.Ltmp0:
0x3a: {  	(pc) =	sbr.rel @p0 .LBB2_2-.Ltmp0, $4  }
0x3b: {  	_ = 	snop  }
0x3c: {  	v1 =	vmul.u32 $0x3, v0  }
0x3d: {  	v0 =	vmul.u32 $0x3, v2  }
0x3e: {  	v2 =	vmul.u32 $0x3, v3  }
0x3f: {  	_ =	sdelay $0x3  }
0x40: {  	v3 =	vld.idx.msk [tilespmem:v1+s2+$0x0], $0xffff  }
0x41: {  	v4 =	vld.idx.msk [tilespmem:v0+s2+$0x0], $0xffff  }
0x42: {  	v5 =	vld.idx.msk [tilespmem:v2+s2+$0x0], $0xffff;
	_ =	sdelay $0x1  }
0x43: {  	s14 =	sshll.u32 s16, $0x7  }
0x44: {  	v6 =	vadd.s32 $0x1, v1;
	s14 =	sand.u32 $0x3FFFFC00, s14  }
0x45: {  	v7 =	vadd.s32 $0x1, v2;
	s13 =	sor.u32 s13, s14;
	v4 =	vsub.f32 v4, v3  }
0x46: {  	v60 =	vadd.s32 $0x1, v0;
	[tilespmem:s13+$0x7200] =	vst v3;
	v3 =	vsub.f32 v5, v3  }
0x47: {  	[tilespmem:s13+$0x7500] =	vst v4  }
0x48: {  	[tilespmem:s13+$0x7380] =	vst v3  }
0x49: {  	v3 =	vld.idx.msk [tilespmem:v6+s2+$0x0], $0xffff  }
0x4a: {  	v4 =	vld.idx.msk [tilespmem:v7+s2+$0x0], $0xffff  }
0x4b: {  	v5 =	vld.idx.msk [tilespmem:v60+s2+$0x0], $0xffff;
	_ =	sdelay $0x2  }
0x4c: {  	v61 =	vadd.s32 $0x2, v1  }
0x4d: {  	v62 =	vadd.s32 $0x2, v2;
	v4 =	vsub.f32 v4, v3  }
0x4e: {  	v63 =	vadd.s32 $0x2, v0;
	[tilespmem:s13+$0x7280] =	vst v3;
	v3 =	vsub.f32 v5, v3  }
0x4f: {  	[tilespmem:s13+$0x7400] =	vst v4  }
0x50: {  	[tilespmem:s13+$0x7580] =	vst v3  }
0x51: {  	v1 =	vld.idx.msk [tilespmem:v61+s2+$0x0], $0xffff  }
0x52: {  	v2 =	vld.idx.msk [tilespmem:v62+s2+$0x0], $0xffff  }
0x53: {  	v0 =	vld.idx.msk [tilespmem:v63+s2+$0x0], $0xffff;
	_ =	sdelay $0x3  }
0x54: {  	v2 =	vsub.f32 v2, v1  }
0x55: {  	s12 =	sadd.s32 $0x1, s12;
	[tilespmem:s13+$0x7300] =	vst v1;
	v0 =	vsub.f32 v0, v1  }
0x56: {  	p0 =	sne.s32 s12, s6;
	[tilespmem:s13+$0x7480] =	vst v2  }
.Ltmp1:
0x57: {  	[tilespmem:s13+$0x9A00] =	vst v0;
	(pc) =	sbr.rel @p0 .LBB2_1-.Ltmp1, $4  }
0x58: {  	[hbm4b:s5+s9] =	stream.strided.scatter [tilespmem:s11], [sflag:$0x1], $0x5000, s10, s9, $0x38;
	[tilespmem:$0xC200] =	vst v63  }
0x59: {  	_ =	swait.ge [sflag:s7], $0x5000  }
0x5a: {  	[sflag:s7] =	ssyncset.done $0x0  }
0x5b: {  	[sflag:s7] =	ssyncadd.s32 $0xFFFFB000  }
0x5c: {  	_ =	sfence.sel $0x180000  }
0x5d: {  	[bflag:$0x0] =	sbarrier.arrive $0xFFFF  }
0x5e: {  	p0 =	sne.s32 s0, $0x0;
	_ =	strace $0x90000047  }
0x5f: {  	s0 =	sadd.s32 @!p0 $0x100000, s1;
	[bflag:$0x2] =	sbarrier.arrive $0xFFFF  }
0x60: {  	[sflag:s0] =	ssyncadd.tile.s32 @!p0 $0x1;
	_ =	shalt  }
.Lfunc_end2:
_tile_overlayer_lowered:
.L_overlay_start_2:
0x61: {  	(tag) =	ssettag $0x2  }
0x62: {  	s0 =	rddreg [dreg:$0x0];
	s2 =	stileid.u32  }
0x63: {  	s1 =	rddreg [dreg:$0x1];
	p0 =	sne.s32 s2, $0x0  }
0x64: {  	s3 =	rddreg [dreg:$0x2];
	[bflag:$0x3] =	sbarrier.arrive $0xFFFF;
	s2 =	simm.s32 @!p0 $0x1C01  }
0x65: {  	[timem:s3], [sflag:s2] =	dma.local @!p0 [hbm:s0], s1  }
0x66: {  	s0 =	simm.s32 @!p0 $0x1  }
0x67: {  	_ =	swait.ge @!p0 [sflag:s0], s1  }
0x68: {  	s1 =	ssub.s32 @!p0 $0x0, s1;
	[sflag:s0] =	ssyncset.done @!p0 $0x0  }
0x69: {  	[sflag:s0] =	ssyncadd.s32 @!p0 s1  }
0x6a: {  	[bflag:$0x3] =	sbarrier.arrive $0xFFFF  }
0x6b: {  	_ =	shalt  }

// kernel: kernel.9.cloned.1.call-start
scs
__scs_entry_jumppad:
0x0: {  	(pc) =	sbr.rel $0x88, $3  }
0x1: {  	(tag) =	ssettag $0x0;
	lr =	simm.s32 $0x1  }
0x2: {  	[smem:$0x3F9C] =	sst lr;
	_ =	strace $0xD0000000  }
0x3: {  	_ = 	snop  }
0x4: {  	_ = 	snop  }
0x5: {  	_ = 	snop  }
0x6: {  	_ = 	snop  }
0x7: {  	_ = 	snop  }
__scs_overlays_trampoline_lowered:
0x8: {  	[smem:$0x3FAB] =	sst s0  }
0x9: {  	[smem:$0x3FAC] =	sst s1  }
0xa: {  	[smem:$0x3FAD] =	sst s2  }
0xb: {  	[smem:$0x3FAE] =	sst s3  }
0xc: {  	[smem:$0x3FAF] =	sst s4  }
0xd: {  	[smem:$0x3FB0] =	sst s5  }
0xe: {  	[smem:$0x3FB1] =	sst s6  }
0xf: {  	[smem:$0x3FB2] =	sst s7  }
0x10: {  	[smem:$0x3FB3] =	sst s8  }
0x11: {  	[smem:$0x3FB4] =	sst s9;
	s0 =	simm.s32 @!p0 $0x0  }
0x12: {  	s1 =	sld [smem:$0x3F9A];
	s0 =	simm.s32 @p0 $0x1  }
0x13: {  	[smem:$0x3FB5] =	sst s0;
	s0 =	simm.s32 @!p1 $0x0  }
0x14: {  	s2 =	sld [smem:$0x3F99];
	s0 =	simm.s32 @p1 $0x1  }
0x15: {  	[smem:$0x3FB6] =	sst s0;
	s0 =	simm.s32 @!p2 $0x0  }
0x16: {  	s3 =	sld [smem:$0x3FDB];
	s0 =	simm.s32 @p2 $0x1  }
0x17: {  	s4 =	simm.s32 $0x1BF5;
	[smem:$0x3FB8] =	sst s0  }
0x18: {  	s0 =	sld [smem:$0x3F9B];
	_ =	swait.ge [sflag:s4], $0x0  }
0x19: {  	s7 =	sld [smem:$0x3F9C]  }
0x1a: {  	s8 =	sadd.s32 $0xFFFFE003, lr  }
0x1b: {  	s9 =	sadd.s32 $0xFFFFFEF7, lr;
	s5 =	simm.s32 $0xFFFFFFFF;
	p2 =	slt.u32 s8, $0xFFFFF086  }
0x1c: {  	p1 =	slt.u32 s9, $0xF7A;
	s5 =	simm.s32 @!p2 $0x0  }
0x1d: {  	s5 =	simm.s32 @p1 $0x1;
	p0 =	seq.s32 s7, s2  }
0x1e: {  	s7 =	smul.u32 @!p0 $0xF7A, s2;
	p2 =	seq.s32 @!p0 s5, $0x0  }
0x1f: {  	s9 =	smul.u32 $0xF7A, s1;
	s8 =	simm.s32 @!p0 $0x1BF5;
	p2 =	por !p2, p0  }
0x20: {  	[sflag:s8] =	ssyncset.s32 @!p0 $0xFFFFF086;
	s6 =	sadd.s32 @!p0 s3, s7;
	s7 =	simm.s32 @!p0 $0x108  }
0x21: {  	s3 =	sadd.s32 s3, s9;
	s6 =	sadd.s32 @!p0 $0x88, s6;
	s7 =	simm.s32 @p2 $0x1082  }
0x22: {  	[simem:s7], [sflag:s8] =	dma.local @!p0 [hbm:s6], $0xF7A  }
0x23: {  	s9 =	sor.u32 $0xD0000000, s2;
	s6 =	simm.s32 $0x108;
	_ =	swait.ge @!p0 [sflag:s8], $0x0  }
0x24: {  	s3 =	sadd.s32 $0x88, s3;
	s6 =	simm.s32 @!p1 $0x1082;
	[sflag:s4] =	ssyncset.s32 $0xFFFFF086  }
0x25: {  	[simem:s6], [sflag:s4] =	dma.local [hbm:s3], $0xF7A  }
0x26: {  	[smem:$0x3F9C] =	sst s1;
	(tag) =	ssettag s2;
	_ =	strace s9  }
0x27: {  	s1 =	sld [smem:$0x3FAC]  }
0x28: {  	s2 =	sld [smem:$0x3FAD]  }
0x29: {  	s4 =	sld [smem:$0x3FAF]  }
0x2a: {  	p0 =	seq.s32 s5, $0x0;
	s5 =	sld [smem:$0x3FB0]  }
0x2b: {  	s6 =	sld [smem:$0x3FB1]  }
0x2c: {  	s7 =	sld [smem:$0x3FB2]  }
0x2d: {  	s3 =	simm.s32 $0x108;
	s8 =	sld [smem:$0x3FB3]  }
0x2e: {  	s3 =	simm.s32 @!p0 $0x1082;
	s9 =	sld [smem:$0x3FB4]  }
0x2f: {  	lr =	sadd.s32 s0, s3;
	s0 =	sld [smem:$0x3FAB]  }
0x30: {  	s3 =	sld [smem:$0x3FAE]  }
0x31: {  	[smem:$0x3FB7] =	sst s10  }
0x32: {  	s10 =	sld [smem:$0x3FB5];
	_ =	sdelay $0x3  }
0x33: {  	p0 =	seq.s32 s10, $0x1;
	s10 =	sld [smem:$0x3FB7];
	_ =	sdelay $0x3  }
0x34: {  	[smem:$0x3FB7] =	sst s10  }
0x35: {  	s10 =	sld [smem:$0x3FB6];
	_ =	sdelay $0x3  }
0x36: {  	p1 =	seq.s32 s10, $0x1;
	s10 =	sld [smem:$0x3FB7];
	_ =	sdelay $0x3  }
0x37: {  	[smem:$0x3FB7] =	sst s10  }
0x38: {  	s10 =	sld [smem:$0x3FB8]  }
0x39: {  	_ = 	snop;
	(pc) =	sbr.ind lr, $3  }
0x3a: {  	_ = 	snop  }
0x3b: {  	_ = 	snop  }
0x3c: {  	p2 =	seq.s32 s10, $0x1;
	s10 =	sld [smem:$0x3FB7]  }
0x3d: {  	_ =	shalt  }
0x3e: {  	_ =	shalt  }
0x3f: {  	_ =	shalt  }
0x40: {  	_ =	shalt  }
0x41: {  	_ =	shalt  }
0x42: {  	_ =	shalt  }
0x43: {  	_ =	shalt  }
0x44: {  	_ =	shalt  }
0x45: {  	_ =	shalt  }
0x46: {  	_ =	shalt  }
0x47: {  	_ =	shalt  }
0x48: {  	_ =	shalt  }
0x49: {  	_ =	shalt  }
0x4a: {  	_ =	shalt  }
0x4b: {  	_ =	shalt  }
0x4c: {  	_ =	shalt  }
0x4d: {  	_ =	shalt  }
0x4e: {  	_ =	shalt  }
0x4f: {  	_ =	shalt  }
0x50: {  	_ =	shalt  }
0x51: {  	_ =	shalt  }
0x52: {  	_ =	shalt  }
0x53: {  	_ =	shalt  }
0x54: {  	_ =	shalt  }
0x55: {  	_ =	shalt  }
0x56: {  	_ =	shalt  }
0x57: {  	_ =	shalt  }
0x58: {  	_ =	shalt  }
0x59: {  	_ =	shalt  }
0x5a: {  	_ =	shalt  }
0x5b: {  	_ =	shalt  }
0x5c: {  	_ =	shalt  }
0x5d: {  	_ =	shalt  }
0x5e: {  	_ =	shalt  }
0x5f: {  	_ =	shalt  }
0x60: {  	_ =	shalt  }
0x61: {  	_ =	shalt  }
0x62: {  	_ =	shalt  }
0x63: {  	_ =	shalt  }
0x64: {  	_ =	shalt  }
0x65: {  	_ =	shalt  }
0x66: {  	_ =	shalt  }
0x67: {  	_ =	shalt  }
0x68: {  	_ =	shalt  }
0x69: {  	_ =	shalt  }
0x6a: {  	_ =	shalt  }
0x6b: {  	_ =	shalt  }
0x6c: {  	_ =	shalt  }
0x6d: {  	_ =	shalt  }
0x6e: {  	_ =	shalt  }
0x6f: {  	_ =	shalt  }
0x70: {  	_ =	shalt  }
0x71: {  	_ =	shalt  }
0x72: {  	_ =	shalt  }
0x73: {  	_ =	shalt  }
0x74: {  	_ =	shalt  }
0x75: {  	_ =	shalt  }
0x76: {  	_ =	shalt  }
0x77: {  	_ =	shalt  }
0x78: {  	_ =	shalt  }
0x79: {  	_ =	shalt  }
0x7a: {  	_ =	shalt  }
0x7b: {  	_ =	shalt  }
0x7c: {  	_ =	shalt  }
0x7d: {  	_ =	shalt  }
0x7e: {  	_ =	shalt  }
0x7f: {  	_ =	shalt  }
0x80: {  	_ =	shalt  }
0x81: {  	_ =	shalt  }
0x82: {  	_ =	shalt  }
0x83: {  	_ =	shalt  }
0x84: {  	_ =	shalt  }
0x85: {  	_ =	shalt  }
0x86: {  	_ =	shalt  }
0x87: {  	_ =	shalt  }
.Lfunc_end0:
.L_simem_size_0:
called_computation.1_lowered:
.L_overlay_start_0:
0x88: {  	s2 =	sld [smem:$0x3FD9]  }
0x89: {  	s3 =	sld [smem:$0x3FFE];
	_ =	sdelay $0x1  }
0x8a: {  	s1 =	srdreg.scid  }
0x8b: {  	s0 =	sand.u32 $0x1, s1  }
0x8c: {  	s14 =	sshll.u32 s0, $0xA;
	s2 =	sadd.s32 s3, s2  }
0x8d: {  	s2 =	sadd.s32 s2, s14  }
0x8e: {  	[smem:$0x3FC3] =	sst s2  }
0x8f: {  	_ = 	snop  }
0x90: {  	s2 =	sld [smem:$0x3FD0];
	_ =	sdelay $0x2  }
0x91: {  	s4 =	simm.s32 $0xA;
	s5 =	simm.s32 $0x10;
	s15 =	sld [smem:$0x3FC5]  }
0x92: {  	[smem:s5], [sflag:s4] =	dma.local [hbm:s2], $0x1  }
0x93: {  	_ =	swait.eq [sflag:s4], $0x1  }
0x94: {  	s16 =	sld [smem:$0x13];
	[sflag:s4] =	ssyncset.done $0x0  }
0x95: {  	s17 =	sld [smem:$0x14];
	[sflag:s4] =	ssyncadd.s32 $0xFFFFFFFF  }
0x96: {  	s18 =	sld [smem:$0x15];
	(tm) =	ssettm $0x1  }
0x97: {  	s6 =	sld [smem:$0x3FFB];
	_ =	sdelay $0x3  }
0x98: {  	_ =	strace s6  }
0x99: {  	s6 =	sld [smem:$0x3FFC];
	_ =	sdelay $0x3  }
0x9a: {  	_ =	strace s6  }
0x9b: {  	s6 =	sld [smem:$0x3FFD];
	_ =	sdelay $0x3  }
0x9c: {  	_ =	strace s6  }
0x9d: {  	_ =	strace $0x8FFFFFFF  }
0x9e: {  	s19 =	sld [smem:$0x3FDB];
	_ =	sdelay $0x1  }
0x9f: {  	s7 =	simm.s32 $_scs_section_size  }
0xa0: {  	s8 =	simm.s32 $_size__tile_overlayer_lowered;
	s9 =	simm.s32 $_tile_overlayer_lowered  }
0xa1: {  	s22 =	simm.s32 $0x1BFF;
	s21 =	sshll.u32 s9, $0x1;
	s6 =	sadd.s32 s7, s19  }
0xa2: {  	s10 =	simm.s32 $0x0;
	s20 =	sshll.u32 s8, $0x1;
	s8 =	sadd.s32 s21, s6  }
0xa3: {  	[timem:s10], [sflag:s22] =	dma.local [hbm:s8], s20  }
0xa4: {  	_ =	swait.ge [sflag:s22], s20  }
0xa5: {  	s7 =	ssub.s32 $0x0, s20;
	[sflag:s22] =	ssyncset.done $0x0  }
0xa6: {  	[sflag:s22] =	ssyncadd.s32 s7;
	_ =	sdelay $0x1  }
0xa7: {  	s23 =	simm.s32 $0x1B8B  }
0xa8: {  	_ =	swait.ge [sflag:s23], $0x1  }
0xa9: {  	[sflag:s23] =	ssyncset.done $0x0  }
0xaa: {  	s25 =	simm.s32 $0x1B8E;
	s24 =	sld [smem:$0x3FFE];
	[sflag:s23] =	ssyncadd.s32 $0xFFFFFFFF  }
0xab: {  	s26 =	simm.s32 $execute0_lowered;
	[smem:$0x3FD2] =	sst s25  }
0xac: {  	s8 =	sshll.u32 s26, $0x1;
	_ =	strace $0x80000049;
	[dreg:$0x1] =	wrdreg $0xFFFFFFFF  }
0xad: {  	s28 =	simm.s32 $_size_execute0_lowered;
	s6 =	sadd.s32 s6, s8;
	[dreg:$0x0] =	wrdreg $0x0  }
0xae: {  	s8 =	sshll.u32 s28, $0x1;
	[dreg:$0x2] =	wrdreg s6  }
0xaf: {  	[dreg:$0x3] =	wrdreg s8  }
0xb0: {  	[dreg:$0x4] =	wrdreg $0xC0  }
0xb1: {  	_ =	task [dreg:s10], $0x5FFFF  }
0xb2: {  	[dreg:$0x1] =	wrdreg $0xFFFFFFFF  }
0xb3: {  	[dreg:$0x0] =	wrdreg $0x60  }
0xb4: {  	[dreg:$0x2] =	wrdreg s17  }
0xb5: {  	[dreg:$0x3] =	wrdreg s15  }
0xb6: {  	[dreg:$0x4] =	wrdreg s24  }
0xb7: {  	[dreg:$0x5] =	wrdreg s16  }
0xb8: {  	[dreg:$0x6] =	wrdreg s18  }
0xb9: {  	[dreg:$0x7] =	wrdreg $0x9  }
0xba: {  	_ =	task.clear_ibuf [dreg:s10], $0x8FFFF;
	_ =	strace $0x90000049  }
0xbb: {  	s29 =	simm.s32 $0x9;
	_ =	strace $0x8000004B  }
0xbc: {  	_ =	swait.ge [sflag:s29], $0x1  }
0xbd: {  	[sflag:s29] =	ssyncadd.s32 $0xFFFFFFFF  }
0xbe: {  	_ =	strace $0x9000004B  }
0xbf: {  	_ =	sfence  }
0xc0: {  	s30 =	sld [smem:$0x0];
	_ =	sdelay $0x2  }
0xc1: {  	s31 =	sshll.u32 s1, $0xD;
	s1 =	sshrl.u32 s1, $0x2  }
0xc2: {  	s3 =	sand.u32 $0x4000, s31;
	s1 =	sadd.s32 s1, s30  }
0xc3: {  	s0 =	sor.u32 s3, s0;
	s1 =	sshll.u32 s1, $0x11  }
0xc4: {  	s0 =	sor.u32 s1, s0  }
0xc5: {  	s0 =	sadd.s32 $0x8F2B, s0  }
0xc6: {  	[sflag:s0] =	ssyncadd.remote.s32 $0x1  }
0xc7: {  	_ =	sfence.sel $0xFFFF  }
0xc8: {  	[dreg:$0x0] =	wrdreg $0xFFFFFFFF;
	(pc) =	sbr.abs _section_cstart, $3  }
0xc9: {  	[dreg:$0x1] =	wrdreg $0xFFFFFFFF  }
0xca: {  	_ =	task.clear_ibuf [dreg:s10], $0x2FFFF;
	_ =	strace $0x9FFFFFFF  }
0xcb: {  	(tm) =	ssettm $0x7FFFFFFF  }
tec
execute0_lowered:
.L_overlay_start_1:
0x0: {  	(tag) =	ssettag $0x1  }
0x1: {  	s6 =	rddreg [dreg:$0x0]  }
0x2: {  	s1 =	rddreg [dreg:$0x1]  }
0x3: {  	s5 =	rddreg [dreg:$0x2]  }
0x4: {  	s7 =	rddreg [dreg:$0x3]  }
0x5: {  	s8 =	rddreg [dreg:$0x4]  }
0x6: {  	s0 =	rddreg [dreg:$0x5];
	s3 =	simm.s32 $0x0;
	s4 =	srdreg.scid  }
0x7: {  	s2 =	stileid.u32;
	s13 =	simm.s32 $0x19800;
	s14 =	simm.s32 $0x19780  }
0x8: {  	s15 =	simm.s32 $0x0;
	[smem:$0x7FF] =	sst s3;
	s9 =	sand.u32 $0x1, s4  }
0x9: {  	s10 =	sshll.u32 s2, $0x8;
	s4 =	sadd.s32 $0x1800, s5;
	s5 =	sadd.s32 $0xC00, s5  }
0xa: {  	_ =	strace $0x8000004A;
	s11 =	sshll.u32 s9, $0x7;
	s9 =	ssub.s32 $0x2, s9  }
0xb: {  	s10 =	sor.u32 s11, s10;
	s31 =	sshrl.u32 s9, $0x1;
	s11 =	simm.s32 $0x9C80  }
0xc: {  	s12 =	sshrl.u32 s10, $0x3;
	s9 =	ssub.s32 s9, s31;
	s10 =	sshll.u32 s10, $0x4  }
0xd: {  	v0 =	vlaneseq.u32;
	s6 =	sadd.s32 s6, s12;
	s7 =	sadd.s32 s7, s12;
	s8 =	sadd.s32 s8, s10  }
0xe: {  	v0 =	vmul.u32 $0x80, v0;
	s9 =	smax.u32 s9, $0x1;
	s10 =	simm.s32 $0x1;
	s12 =	simm.s32 $0x13900  }
.LBB2_1:
0xf: {  	[tilespmem:s3], [sflag:$0x1] =	stream.linear.gather [hbm4b:s1+s3], $0x9C80, $0x38;
	[tilespmem:$0x1D800] =	vst v63  }
0x10: {  	_ =	swait.ge [sflag:s10], $0x9C80  }
0x11: {  	[sflag:s10] =	ssyncset.done $0x0  }
0x12: {  	[sflag:s10] =	ssyncadd.s32 $0xFFFF6380  }
0x13: {  	[tilespmem:s11], [sflag:$0x1] =	stream.linear.gather [hbm4b:s4+s3], $0x9C80, $0x38;
	[tilespmem:$0x1D800] =	vst v63  }
0x14: {  	_ =	swait.ge [sflag:s10], $0x9C80  }
0x15: {  	[sflag:s10] =	ssyncset.done $0x0  }
0x16: {  	[sflag:s10] =	ssyncadd.s32 $0xFFFF6380  }
0x17: {  	[tilespmem:s12], [sflag:$0x1] =	stream.linear.gather [hbm4b:s5+s3], $0x5E00, $0x38;
	[tilespmem:$0x1D800] =	vst v63  }
0x18: {  	_ =	swait.ge [sflag:s10], $0x5E00  }
0x19: {  	[sflag:s10] =	ssyncset.done $0x0  }
0x1a: {  	s16 =	simm.s32 $0x19700;
	[sflag:s10] =	ssyncadd.s32 $0xFFFFA200  }
0x1b: {  	[tilespmem:s16], [sflag:$0x1] =	stream.linear.gather [hbm4b:s6+s3], $0x80, $0x38;
	[tilespmem:$0x1D800] =	vst v63  }
0x1c: {  	_ =	swait.ge [sflag:s10], $0x80  }
0x1d: {  	[sflag:s10] =	ssyncset.done $0x0  }
0x1e: {  	s17 =	simm.s32 $0x19780;
	s18 =	simm.s32 $0x0;
	[sflag:s10] =	ssyncadd.s32 $0xFFFFFF80  }
.LBB2_2:
0x1f: {  	v1 =	vld [tilespmem:s16+$0x0];
	_ =	sdelay $0x7  }
0x20: {  	v1 =	vld.idx.msk [tilespmem:v1+s3+$0x0], $0xffff;
	_ =	sdelay $0x6  }
0x21: {  	[tilespmem:s17+$0x0] =	vst v1  }
0x22: {  	v2 =	vld.idx.msk [tilespmem:v1+s11+$0x0], $0xffff;
	_ =	sdelay $0x4  }
0x23: {  	v2 =	vmul.u32 $0x3, v2;
	_ =	sdelay $0x3  }
0x24: {  	v3 =	vmov s18  }
0x25: {  	v3 =	vshll.u32 v3, $0x7  }
0x26: {  	v3 =	vor.u32 v0, v3;
	v4 =	vld.idx.msk [tilespmem:v2+s12+$0x0], $0xffff  }
0x27: {  	v5 =	vadd.s32 $0x1, v2;
	_ =	sdelay $0x3  }
0x28: {  	[tilespmem:v3+s13+$0x0] =	vst.idx.msk $0xffff, v4  }
0x29: {  	v50 =	vor.u32 $0x1, v3;
	v4 =	vld.idx.msk [tilespmem:v5+s12+$0x0], $0xffff  }
0x2a: {  	v2 =	vadd.s32 $0x2, v2;
	_ =	sdelay $0x3  }
0x2b: {  	[tilespmem:v50+s13+$0x0] =	vst.idx.msk $0xffff, v4  }
0x2c: {  	v51 =	vor.u32 $0x2, v3;
	v2 =	vld.idx.msk [tilespmem:v2+s12+$0x0], $0xffff  }
0x2d: {  	v52 =	vadd.s32 $0x2710, v1;
	_ =	sdelay $0x3  }
0x2e: {  	[tilespmem:v51+s13+$0x0] =	vst.idx.msk $0xffff, v2  }
0x2f: {  	v2 =	vld.idx.msk [tilespmem:v52+s11+$0x0], $0xffff;
	_ =	sdelay $0x4  }
0x30: {  	v2 =	vmul.u32 $0x3, v2;
	_ =	sdelay $0x5  }
0x31: {  	v53 =	vor.u32 $0x3, v3;
	v4 =	vld.idx.msk [tilespmem:v2+s12+$0x0], $0xffff  }
0x32: {  	v6 =	vadd.s32 $0x1, v2;
	_ =	sdelay $0x3  }
0x33: {  	[tilespmem:v53+s13+$0x0] =	vst.idx.msk $0xffff, v4  }
0x34: {  	v54 =	vor.u32 $0x4, v3;
	v4 =	vld.idx.msk [tilespmem:v6+s12+$0x0], $0xffff  }
0x35: {  	v2 =	vadd.s32 $0x2, v2;
	_ =	sdelay $0x3  }
0x36: {  	[tilespmem:v54+s13+$0x0] =	vst.idx.msk $0xffff, v4  }
0x37: {  	v55 =	vor.u32 $0x5, v3;
	v2 =	vld.idx.msk [tilespmem:v2+s12+$0x0], $0xffff  }
0x38: {  	v56 =	vadd.s32 $0x4E20, v1;
	_ =	sdelay $0x3  }
0x39: {  	[tilespmem:v55+s13+$0x0] =	vst.idx.msk $0xffff, v2  }
0x3a: {  	v2 =	vld.idx.msk [tilespmem:v56+s11+$0x0], $0xffff;
	_ =	sdelay $0x4  }
0x3b: {  	v2 =	vmul.u32 $0x3, v2;
	_ =	sdelay $0x5  }
0x3c: {  	v57 =	vor.u32 $0x6, v3;
	v4 =	vld.idx.msk [tilespmem:v2+s12+$0x0], $0xffff  }
0x3d: {  	v58 =	vadd.s32 $0x1, v2;
	_ =	sdelay $0x3  }
0x3e: {  	[tilespmem:v57+s13+$0x0] =	vst.idx.msk $0xffff, v4  }
0x3f: {  	v59 =	vor.u32 $0x7, v3;
	v4 =	vld.idx.msk [tilespmem:v58+s12+$0x0], $0xffff  }
0x40: {  	v2 =	vadd.s32 $0x2, v2;
	_ =	sdelay $0x3  }
0x41: {  	[tilespmem:v59+s13+$0x0] =	vst.idx.msk $0xffff, v4  }
0x42: {  	v60 =	vor.u32 $0x8, v3;
	v2 =	vld.idx.msk [tilespmem:v2+s12+$0x0], $0xffff  }
0x43: {  	v1 =	vadd.s32 $0x7530, v1;
	_ =	sdelay $0x3  }
0x44: {  	[tilespmem:v60+s13+$0x0] =	vst.idx.msk $0xffff, v2  }
0x45: {  	v1 =	vld.idx.msk [tilespmem:v1+s11+$0x0], $0xffff;
	_ =	sdelay $0x4  }
0x46: {  	v1 =	vmul.u32 $0x3, v1;
	_ =	sdelay $0x5  }
0x47: {  	v61 =	vor.u32 $0x9, v3;
	v2 =	vld.idx.msk [tilespmem:v1+s12+$0x0], $0xffff  }
0x48: {  	v62 =	vadd.s32 $0x1, v1;
	_ =	sdelay $0x3  }
0x49: {  	[tilespmem:v61+s13+$0x0] =	vst.idx.msk $0xffff, v2  }
0x4a: {  	v63 =	vor.u32 $0xA, v3;
	v2 =	vld.idx.msk [tilespmem:v62+s12+$0x0], $0xffff  }
0x4b: {  	v1 =	vadd.s32 $0x2, v1;
	_ =	sdelay $0x3  }
0x4c: {  	[tilespmem:v63+s13+$0x0] =	vst.idx.msk $0xffff, v2  }
0x4d: {  	p0 =	sne.s32 s18, $0x70;
	v2 =	vor.u32 $0xB, v3;
	v1 =	vld.idx.msk [tilespmem:v1+s12+$0x0], $0xffff  }
.Ltmp0:
0x4e: {  	_ = 	snop;
	(pc) =	sbr.rel @p0 .LBB2_2-.Ltmp0, $2  }
0x4f: {  	_ =	sdelay $0x2  }
0x50: {  	s16 =	sadd.s32 $0x10, s16;
	s18 =	sadd.s32 $0x10, s18;
	s17 =	sadd.s32 $0x10, s17;
	[tilespmem:v2+s13+$0x0] =	vst.idx.msk $0xffff, v1  }
0x51: {  	[hbm4b:s7+s3] =	stream.linear.scatter [tilespmem:s14], [sflag:$0x1], $0x80, $0x38;
	[tilespmem:$0x1D800] =	vst v63  }
0x52: {  	s15 =	sadd.s32 $0x1, s15;
	_ =	swait.ge [sflag:s10], $0x80  }
0x53: {  	p0 =	sne.s32 s15, s9;
	[sflag:s10] =	ssyncset.done $0x0  }
.Ltmp1:
0x54: {  	[sflag:s10] =	ssyncadd.s32 $0xFFFFFF80;
	(pc) =	sbr.rel @p0 .LBB2_1-.Ltmp1, $4  }
0x55: {  	[hbm4b:s8+s3] =	stream.linear.scatter [tilespmem:s13], [sflag:$0x1], $0x4000, $0x38;
	[tilespmem:$0x1D800] =	vst v63  }
0x56: {  	_ =	swait.ge [sflag:s10], $0x4000  }
0x57: {  	[sflag:s10] =	ssyncset.done $0x0  }
0x58: {  	[sflag:s10] =	ssyncadd.s32 $0xFFFFC000  }
0x59: {  	_ =	sfence.sel $0x180000  }
0x5a: {  	[bflag:$0x0] =	sbarrier.arrive $0xFFFF  }
0x5b: {  	p0 =	sne.s32 s2, $0x0;
	_ =	strace $0x9000004A  }
0x5c: {  	s0 =	sadd.s32 @!p0 $0x100000, s0;
	[bflag:$0x2] =	sbarrier.arrive $0xFFFF  }
0x5d: {  	[sflag:s0] =	ssyncadd.tile.s32 @!p0 $0x1;
	_ =	shalt  }
.Lfunc_end2:
_tile_overlayer_lowered:
.L_overlay_start_2:
0x5e: {  	(tag) =	ssettag $0x2  }
0x5f: {  	s0 =	rddreg [dreg:$0x0];
	s2 =	stileid.u32  }
0x60: {  	s1 =	rddreg [dreg:$0x1];
	p0 =	sne.s32 s2, $0x0  }
0x61: {  	s3 =	rddreg [dreg:$0x2];
	[bflag:$0x3] =	sbarrier.arrive $0xFFFF;
	s2 =	simm.s32 @!p0 $0x1C01  }
0x62: {  	[timem:s3], [sflag:s2] =	dma.local @!p0 [hbm:s0], s1  }
0x63: {  	s0 =	simm.s32 @!p0 $0x1  }
0x64: {  	_ =	swait.ge @!p0 [sflag:s0], s1  }
0x65: {  	s1 =	ssub.s32 @!p0 $0x0, s1;
	[sflag:s0] =	ssyncset.done @!p0 $0x0  }
0x66: {  	[sflag:s0] =	ssyncadd.s32 @!p0 s1  }
0x67: {  	[bflag:$0x3] =	sbarrier.arrive $0xFFFF  }
0x68: {  	_ =	shalt  }

</sc_bundles>
